<compile_context>
chip_gen: v7x
topology: tpu7x:2x2x1
jax: 0.10.2.dev20260603
libtpu: 0.0.44.dev20260713+nightly
codegen_flags: <defaults>
</compile_context>

<pallas_src>
import jax
import jax.numpy as jnp
from jax.experimental import pallas as pl
from jax.experimental.pallas import tpu as pltpu
from jax.experimental.pallas import tpu_sc as plsc

_BBLK = 8


def kernel(token_ids, matrix):
    b, s = token_ids.shape
    n, d = matrix.shape
    nblocks = b // _BBLK
    indices = token_ids.astype(jnp.int32).reshape(nblocks, _BBLK, s)

    mesh = plsc.VectorSubcoreMesh(
        core_axis_name="core", subcore_axis_name="subcore"
    )

    @pl.kernel(
        out_type=jax.ShapeDtypeStruct((b, s, d), matrix.dtype),
        mesh=mesh,
        scratch_types=[pltpu.SemaphoreType.DMA],
    )
    def gather_kernel(x_hbm, i_hbm, o_hbm, gsem):
        def body(i_vmem, o_vmem):
            copies = [
                pltpu.async_copy(
                    x_hbm.at[i_vmem.at[0, j]], o_vmem.at[j], gsem
                )
                for j in range(_BBLK)
            ]
            for c in copies:
                c.wait()

        pltpu.emit_pipeline(
            body,
            grid=(nblocks,),
            in_specs=[
                pl.BlockSpec((1, _BBLK, s), index_map=lambda i: (i, 0, 0))
            ],
            out_specs=[
                pl.BlockSpec((_BBLK, s, d), index_map=lambda i: (i, 0, 0))
            ],
            core_axis_name=("core", "subcore"),
            dimension_semantics=(pltpu.PARALLEL,),
            trace_scopes=False,
        )(i_hbm, o_hbm)

    return gather_kernel(matrix, indices)

# --- scband reference (transcript-rebuilt; emitter-appended) ---
"""Pipeline reference for scband-embedding-47622597378651 (READ-ONLY COPY).

The authoritative reference and input builder live on the scoring server;
editing this copy changes nothing except your own understanding.
"""

import jax, jax.numpy as jnp
import numpy as np

NUM_EMBEDDINGS = 100000
EMBEDDING_DIM = 128

def setup_inputs(seed: int = 0) -> dict:
    key = jax.random.key(seed)
    k1, k2 = jax.random.split(key)
    token_ids = jax.random.randint(k1, (4096, 50), 0, NUM_EMBEDDINGS, dtype=jnp.int64 if jax.config.jax_enable_x64 else jnp.int32)
    # trunc_normal_(mean=0, std=1, a=-3, b=3)
    matrix = jax.random.truncated_normal(k2, -3.0, 3.0, (NUM_EMBEDDINGS, EMBEDDING_DIM), dtype=jnp.float32)
    return {"token_ids": token_ids, "matrix": matrix}

def reference(token_ids, matrix):
    token_ids = token_ids.astype(jnp.int32)
    embeddings = jnp.take(matrix, token_ids, axis=0)
    return embeddings

if __name__ == "__main__":
    import jax
    _d = setup_inputs()
    print(jax.jit(kernel)(*tuple(_d.values())))

</pallas_src>

<mosaic_0001>
#map = affine_map<(d0, d1) -> (0, 0)>
#map1 = affine_map<(d0, d1) -> (0, 0, 0)>
module attributes {stable_mosaic.version = 14 : i64} {
  func.func @gather_kernel(%arg0: i32, %arg1: i32, %arg2: memref<100000x128xf32, #tpu.memory_space<hbm>>, %arg3: memref<512x8x50xi32, #tpu.memory_space<hbm>>, %arg4: memref<4096x50x128xf32, #tpu.memory_space<hbm>>, %arg5: memref<!tpu.dma_semaphore, #tpu.memory_space<semaphore_mem>>) attributes {dimension_semantics = [#tpu.dimension_semantics<core_parallel>, #tpu.dimension_semantics<subcore_parallel>], iteration_bounds = array<i64: 2, 16>, scalar_prefetch = 0 : i64, scratch_operands = 1 : i64, tpu.core_type = #tpu.core_type<sc_vector_subcore>, window_params = [{transform_indices = #map}, {transform_indices = #map1}, {transform_indices = #map1}]} {
    %mul3A = arith.constant 1 : i32
    %mul3A_0 = arith.muli %arg1, %mul3A : i32
    %add3A = arith.constant 0 : i32
    %add3A_1 = arith.addi %add3A, %mul3A_0 : i32
    %mul3A_2 = arith.constant 16 : i32
    %mul3A_3 = arith.muli %arg0, %mul3A_2 : i32
    %add3A_4 = arith.addi %add3A_1, %mul3A_3 : i32
    %mul3A_5 = arith.constant 16 : i32
    %mul3A_6 = arith.muli %add3A_4, %mul3A_5 : i32
    "tpu.region"() ({
      %run_scoped3A = memref.alloca() : memref<2x1x8x50xi32, #tpu.memory_space<vmem>>
      %run_scoped3A_7 = tpu.sem_alloc : memref<2x!tpu.dma_semaphore, #tpu.memory_space<semaphore_mem>>
      %run_scoped3A_8 = memref.alloca() : memref<2x8x50x128xf32, #tpu.memory_space<vmem>>
      %run_scoped3A_9 = tpu.sem_alloc : memref<2x!tpu.dma_semaphore, #tpu.memory_space<semaphore_mem>>
      %add3A_10 = arith.constant 0 : i32
      %add3A_11 = arith.addi %add3A_10, %mul3A_6 : i32
      %select_n3A = arith.constant true
      %select_n3A_12 = arith.constant 0 : i32
      %select_n3A_13 = arith.constant -1 : i32
      %select_n3A_14 = arith.select %select_n3A, %select_n3A_13, %select_n3A_12 : i32
      %eq3A = arith.constant -1 : i32
      %eq3A_15 = arith.cmpi eq, %select_n3A_14, %eq3A : i32
      %select_n3A_16 = arith.constant 15 : i32
      %select_n3A_17 = arith.select %eq3A_15, %select_n3A_16, %select_n3A_14 : i32
      %add3A_18 = arith.addi %select_n3A_17, %mul3A_6 : i32
      %select_n3A_19 = arith.constant true
      %select_n3A_20 = arith.constant 0 : i32
      %select_n3A_21 = arith.constant 1 : i32
      %select_n3A_22 = arith.select %select_n3A_19, %select_n3A_21, %select_n3A_20 : i32
      %eq3A_23 = arith.constant 16 : i32
      %eq3A_24 = arith.cmpi eq, %select_n3A_22, %eq3A_23 : i32
      %select_n3A_25 = arith.constant 0 : i32
      %select_n3A_26 = arith.select %eq3A_24, %select_n3A_25, %select_n3A_22 : i32
      %add3A_27 = arith.addi %select_n3A_26, %mul3A_6 : i32
      %add3A_28 = arith.constant 1 : i32
      %add3A_29 = arith.addi %select_n3A_26, %add3A_28 : i32
      %select_n3A_30 = arith.constant true
      %select_n3A_31 = arith.select %select_n3A_30, %add3A_29, %select_n3A_26 : i32
      %eq3A_32 = arith.constant 16 : i32
      %eq3A_33 = arith.cmpi eq, %select_n3A_31, %eq3A_32 : i32
      %select_n3A_34 = arith.constant 0 : i32
      %select_n3A_35 = arith.select %eq3A_33, %select_n3A_34, %select_n3A_31 : i32
      %add3A_36 = arith.addi %select_n3A_35, %mul3A_6 : i32
      %rem3A = arith.constant 0 : i32
      %rem3A_37 = arith.constant 2 : i32
      %rem3A_38 = arith.remui %rem3A, %rem3A_37 : i32
      %mul3A_39 = arith.constant 1 : i32
      %mul3A_40 = arith.muli %mul3A_39, %add3A_11 : i32
      %dma_start3A = arith.constant 0 : i32
      %dma_start3A_41 = arith.constant 0 : i32
      %dma_start3A_42 = arith.constant 0 : i32
      %dma_start3A_43 = tpu.memref_slice %run_scoped3A[%rem3A_38, %dma_start3A, %dma_start3A_41, %dma_start3A_42] : memref<2x1x8x50xi32, #tpu.memory_space<vmem>> -> memref<1x1x8x50xi32, #tpu.memory_space<vmem>>
      %dma_start3A_44 = tpu.memref_squeeze %dma_start3A_43 : memref<1x1x8x50xi32, #tpu.memory_space<vmem>> -> memref<1x8x50xi32, #tpu.memory_space<vmem>>
      %dma_start3A_45 = arith.constant 0 : i32
      %dma_start3A_46 = arith.constant 0 : i32
      %dma_start3A_47 = tpu.memref_slice %arg3[%mul3A_40, %dma_start3A_45, %dma_start3A_46] : memref<512x8x50xi32, #tpu.memory_space<hbm>> -> memref<1x8x50xi32, #tpu.memory_space<hbm>>
      %dma_start3A_48 = tpu.memref_slice %run_scoped3A_7[%rem3A_38] : memref<2x!tpu.dma_semaphore, #tpu.memory_space<semaphore_mem>> -> memref<1x!tpu.dma_semaphore, #tpu.memory_space<semaphore_mem>>
      %dma_start3A_49 = tpu.memref_squeeze %dma_start3A_48 : memref<1x!tpu.dma_semaphore, #tpu.memory_space<semaphore_mem>> -> memref<!tpu.dma_semaphore, #tpu.memory_space<semaphore_mem>>
      %dma_start3A_50 = arith.constant 0 : i32
      %dma_start3A_51 = arith.constant 0 : i32
      %dma_start3A_52 = arith.constant 0 : i32
      %dma_start3A_53 = tpu.memref_slice %run_scoped3A[%rem3A_38, %dma_start3A_50, %dma_start3A_51, %dma_start3A_52] : memref<2x1x8x50xi32, #tpu.memory_space<vmem>> -> memref<1x1x8x50xi32, #tpu.memory_space<vmem>>
      %dma_start3A_54 = tpu.memref_squeeze %dma_start3A_53 : memref<1x1x8x50xi32, #tpu.memory_space<vmem>> -> memref<1x8x50xi32, #tpu.memory_space<vmem>>
      %dma_start3A_55 = arith.constant 0 : i32
      %dma_start3A_56 = arith.constant 0 : i32
      %dma_start3A_57 = tpu.memref_slice %arg3[%mul3A_40, %dma_start3A_55, %dma_start3A_56] : memref<512x8x50xi32, #tpu.memory_space<hbm>> -> memref<1x8x50xi32, #tpu.memory_space<hbm>>
      tpu.enqueue_dma source(%dma_start3A_57 : memref<1x8x50xi32, #tpu.memory_space<hbm>>) target(%dma_start3A_54 : memref<1x8x50xi32, #tpu.memory_space<vmem>>) target_semaphore(%dma_start3A_49 : memref<!tpu.dma_semaphore, #tpu.memory_space<semaphore_mem>>)
      %add3A_58 = arith.constant 0 : i32
      %add3A_59 = arith.constant 1 : i32
      %add3A_60 = arith.addi %add3A_58, %add3A_59 : i32
      %select_n3A_61 = arith.constant true
      %select_n3A_62 = arith.constant 0 : i32
      %select_n3A_63 = arith.select %select_n3A_61, %add3A_60, %select_n3A_62 : i32
      %scan3A = arith.constant 0 : i32
      %scan3A_64 = arith.constant 0 : i32
      %scan3A_65 = arith.constant 0 : i32
      %scan3A_66 = arith.constant 0 : i32
      %scan3A_67 = arith.constant 0 : i32
      %scan3A_68 = arith.constant 16 : i32
      %scan3A_69 = arith.addi %scan3A_67, %scan3A_68 : i32
      %scan3A_70 = arith.constant 1 : i32
      %scan3A_71:5 = scf.for %scan3A_129 = %scan3A_67 to %scan3A_69 step %scan3A_70 iter_args(%scan3A_130 = %select_n3A_63, %scan3A_131 = %scan3A, %scan3A_132 = %scan3A_64, %scan3A_133 = %scan3A_65, %scan3A_134 = %scan3A_66) -> (i32, i32, i32, i32, i32)  : i32 {
        %eq3A_135 = arith.constant 0 : i32
        %eq3A_136 = arith.cmpi eq, %scan3A_129, %eq3A_135 : i32
        %eq3A_137 = arith.constant 15 : i32
        %eq3A_138 = arith.cmpi eq, %scan3A_129, %eq3A_137 : i32
        %add3A_139 = arith.addi %scan3A_134, %mul3A_6 : i32
        %sub3A_140 = arith.constant 1 : i32
        %sub3A_141 = arith.subi %scan3A_134, %sub3A_140 : i32
        %select_n3A_142 = arith.constant true
        %select_n3A_143 = arith.select %select_n3A_142, %sub3A_141, %scan3A_134 : i32
        %eq3A_144 = arith.constant -1 : i32
        %eq3A_145 = arith.cmpi eq, %select_n3A_143, %eq3A_144 : i32
        %select_n3A_146 = arith.constant 15 : i32
        %select_n3A_147 = arith.select %eq3A_145, %select_n3A_146, %select_n3A_143 : i32
        %add3A_148 = arith.addi %select_n3A_147, %mul3A_6 : i32
        %add3A_149 = arith.constant 1 : i32
        %add3A_150 = arith.addi %scan3A_134, %add3A_149 : i32
        %select_n3A_151 = arith.constant true
        %select_n3A_152 = arith.select %select_n3A_151, %add3A_150, %scan3A_134 : i32
        %eq3A_153 = arith.constant 16 : i32
        %eq3A_154 = arith.cmpi eq, %select_n3A_152, %eq3A_153 : i32
        %select_n3A_155 = arith.constant 0 : i32
        %select_n3A_156 = arith.select %eq3A_154, %select_n3A_155, %select_n3A_152 : i32
        %add3A_157 = arith.addi %select_n3A_156, %mul3A_6 : i32
        %add3A_158 = arith.constant 1 : i32
        %add3A_159 = arith.addi %select_n3A_156, %add3A_158 : i32
        %select_n3A_160 = arith.constant true
        %select_n3A_161 = arith.select %select_n3A_160, %add3A_159, %select_n3A_156 : i32
        %eq3A_162 = arith.constant 16 : i32
        %eq3A_163 = arith.cmpi eq, %select_n3A_161, %eq3A_162 : i32
        %select_n3A_164 = arith.constant 0 : i32
        %select_n3A_165 = arith.select %eq3A_163, %select_n3A_164, %select_n3A_161 : i32
        %add3A_166 = arith.addi %select_n3A_165, %mul3A_6 : i32
        %ne3A = arith.cmpi ne, %add3A_139, %add3A_157 : i32
        %or3A = arith.constant false
        %or3A_167 = arith.ori %or3A, %ne3A : i1
        %or3A_168 = arith.constant false
        %or3A_169 = arith.ori %or3A_167, %or3A_168 : i1
        %or3A_170 = arith.constant false
        %or3A_171 = arith.ori %or3A_169, %or3A_170 : i1
        %ge3A = arith.constant 15 : i32
        %ge3A_172 = arith.cmpi sge, %scan3A_129, %ge3A : i32
        %not3A = arith.constant true
        %not3A_173 = arith.xori %ge3A_172, %not3A : i1
        %and3A = arith.andi %or3A_171, %not3A_173 : i1
        %convert_element_type3A = arith.extui %and3A : i1 to i32
        %cond3A = arith.constant 0 : i32
        %cond3A_174 = arith.cmpi ne, %convert_element_type3A, %cond3A : i32
        scf.if %cond3A_174 {
          %rem3A_667 = arith.constant 2 : i32
          %rem3A_668 = arith.remui %scan3A_130, %rem3A_667 : i32
          %mul3A_669 = arith.constant 1 : i32
          %mul3A_670 = arith.muli %mul3A_669, %add3A_157 : i32
          %dma_start3A_671 = arith.constant 0 : i32
          %dma_start3A_672 = arith.constant 0 : i32
          %dma_start3A_673 = arith.constant 0 : i32
          %dma_start3A_674 = tpu.memref_slice %run_scoped3A[%rem3A_668, %dma_start3A_671, %dma_start3A_672, %dma_start3A_673] : memref<2x1x8x50xi32, #tpu.memory_space<vmem>> -> memref<1x1x8x50xi32, #tpu.memory_space<vmem>>
          %dma_start3A_675 = tpu.memref_squeeze %dma_start3A_674 : memref<1x1x8x50xi32, #tpu.memory_space<vmem>> -> memref<1x8x50xi32, #tpu.memory_space<vmem>>
          %dma_start3A_676 = arith.constant 0 : i32
          %dma_start3A_677 = arith.constant 0 : i32
          %dma_start3A_678 = tpu.memref_slice %arg3[%mul3A_670, %dma_start3A_676, %dma_start3A_677] : memref<512x8x50xi32, #tpu.memory_space<hbm>> -> memref<1x8x50xi32, #tpu.memory_space<hbm>>
          %dma_start3A_679 = tpu.memref_slice %run_scoped3A_7[%rem3A_668] : memref<2x!tpu.dma_semaphore, #tpu.memory_space<semaphore_mem>> -> memref<1x!tpu.dma_semaphore, #tpu.memory_space<semaphore_mem>>
          %dma_start3A_680 = tpu.memref_squeeze %dma_start3A_679 : memref<1x!tpu.dma_semaphore, #tpu.memory_space<semaphore_mem>> -> memref<!tpu.dma_semaphore, #tpu.memory_space<semaphore_mem>>
          %dma_start3A_681 = arith.constant 0 : i32
          %dma_start3A_682 = arith.constant 0 : i32
          %dma_start3A_683 = arith.constant 0 : i32
          %dma_start3A_684 = tpu.memref_slice %run_scoped3A[%rem3A_668, %dma_start3A_681, %dma_start3A_682, %dma_start3A_683] : memref<2x1x8x50xi32, #tpu.memory_space<vmem>> -> memref<1x1x8x50xi32, #tpu.memory_space<vmem>>
          %dma_start3A_685 = tpu.memref_squeeze %dma_start3A_684 : memref<1x1x8x50xi32, #tpu.memory_space<vmem>> -> memref<1x8x50xi32, #tpu.memory_space<vmem>>
          %dma_start3A_686 = arith.constant 0 : i32
          %dma_start3A_687 = arith.constant 0 : i32
          %dma_start3A_688 = tpu.memref_slice %arg3[%mul3A_670, %dma_start3A_686, %dma_start3A_687] : memref<512x8x50xi32, #tpu.memory_space<hbm>> -> memref<1x8x50xi32, #tpu.memory_space<hbm>>
          tpu.enqueue_dma source(%dma_start3A_688 : memref<1x8x50xi32, #tpu.memory_space<hbm>>) target(%dma_start3A_685 : memref<1x8x50xi32, #tpu.memory_space<vmem>>) target_semaphore(%dma_start3A_680 : memref<!tpu.dma_semaphore, #tpu.memory_space<semaphore_mem>>)
        } else {
        }
        %and3A_175 = arith.constant true
        %and3A_176 = arith.andi %and3A, %and3A_175 : i1
        %add3A_177 = arith.constant 1 : i32
        %add3A_178 = arith.addi %scan3A_130, %add3A_177 : i32
        %select_n3A_179 = arith.select %and3A_176, %add3A_178, %scan3A_130 : i32
        %ne3A_180 = arith.cmpi ne, %add3A_139, %add3A_157 : i32
        %or3A_181 = arith.constant false
        %or3A_182 = arith.ori %or3A_181, %ne3A_180 : i1
        %or3A_183 = arith.constant false
        %or3A_184 = arith.ori %or3A_182, %or3A_183 : i1
        %or3A_185 = arith.constant false
        %or3A_186 = arith.ori %or3A_184, %or3A_185 : i1
        %ge3A_187 = arith.constant 15 : i32
        %ge3A_188 = arith.cmpi sge, %scan3A_129, %ge3A_187 : i32
        %not3A_189 = arith.constant true
        %not3A_190 = arith.xori %ge3A_188, %not3A_189 : i1
        %and3A_191 = arith.andi %or3A_186, %not3A_190 : i1
        %ne3A_192 = arith.cmpi ne, %add3A_139, %add3A_148 : i32
        %or3A_193 = arith.constant false
        %or3A_194 = arith.ori %or3A_193, %ne3A_192 : i1
        %or3A_195 = arith.constant false
        %or3A_196 = arith.ori %or3A_194, %or3A_195 : i1
        %or3A_197 = arith.constant false
        %or3A_198 = arith.ori %or3A_196, %or3A_197 : i1
        %or3A_199 = arith.ori %or3A_198, %eq3A_136 : i1
        %convert_element_type3A_200 = arith.extui %or3A_199 : i1 to i32
        %cond3A_201 = arith.constant 0 : i32
        %cond3A_202 = arith.cmpi ne, %convert_element_type3A_200, %cond3A_201 : i32
        scf.if %cond3A_202 {
          %mul3A_667 = arith.constant 1 : i32
          %mul3A_668 = arith.muli %mul3A_667, %add3A_139 : i32
          %rem3A_669 = arith.constant 2 : i32
          %rem3A_670 = arith.remui %scan3A_131, %rem3A_669 : i32
          %dma_wait3A_671 = arith.constant 0 : i32
          %dma_wait3A_672 = arith.constant 0 : i32
          %dma_wait3A_673 = arith.constant 0 : i32
          %dma_wait3A_674 = tpu.memref_slice %run_scoped3A[%rem3A_670, %dma_wait3A_671, %dma_wait3A_672, %dma_wait3A_673] : memref<2x1x8x50xi32, #tpu.memory_space<vmem>> -> memref<1x1x8x50xi32, #tpu.memory_space<vmem>>
          %dma_wait3A_675 = tpu.memref_squeeze %dma_wait3A_674 : memref<1x1x8x50xi32, #tpu.memory_space<vmem>> -> memref<1x8x50xi32, #tpu.memory_space<vmem>>
          %dma_wait3A_676 = arith.constant 0 : i32
          %dma_wait3A_677 = arith.constant 0 : i32
          %dma_wait3A_678 = tpu.memref_slice %arg3[%mul3A_668, %dma_wait3A_676, %dma_wait3A_677] : memref<512x8x50xi32, #tpu.memory_space<hbm>> -> memref<1x8x50xi32, #tpu.memory_space<hbm>>
          %dma_wait3A_679 = tpu.memref_slice %run_scoped3A_7[%rem3A_670] : memref<2x!tpu.dma_semaphore, #tpu.memory_space<semaphore_mem>> -> memref<1x!tpu.dma_semaphore, #tpu.memory_space<semaphore_mem>>
          %dma_wait3A_680 = tpu.memref_squeeze %dma_wait3A_679 : memref<1x!tpu.dma_semaphore, #tpu.memory_space<semaphore_mem>> -> memref<!tpu.dma_semaphore, #tpu.memory_space<semaphore_mem>>
          %dma_wait3A_681 = arith.constant 0 : i32
          %dma_wait3A_682 = arith.constant 0 : i32
          %dma_wait3A_683 = arith.constant 0 : i32
          %dma_wait3A_684 = tpu.memref_slice %run_scoped3A[%rem3A_670, %dma_wait3A_681, %dma_wait3A_682, %dma_wait3A_683] : memref<2x1x8x50xi32, #tpu.memory_space<vmem>> -> memref<1x1x8x50xi32, #tpu.memory_space<vmem>>
          %dma_wait3A_685 = tpu.memref_squeeze %dma_wait3A_684 : memref<1x1x8x50xi32, #tpu.memory_space<vmem>> -> memref<1x8x50xi32, #tpu.memory_space<vmem>>
          %dma_wait3A_686 = arith.constant 0 : i32
          %dma_wait3A_687 = arith.constant 0 : i32
          %dma_wait3A_688 = tpu.memref_slice %arg3[%mul3A_668, %dma_wait3A_686, %dma_wait3A_687] : memref<512x8x50xi32, #tpu.memory_space<hbm>> -> memref<1x8x50xi32, #tpu.memory_space<hbm>>
          tpu.wait_dma2 semaphore(%dma_wait3A_680 : memref<!tpu.dma_semaphore, #tpu.memory_space<semaphore_mem>>) src(%dma_wait3A_688 : memref<1x8x50xi32, #tpu.memory_space<hbm>>) dst(%dma_wait3A_685 : memref<1x8x50xi32, #tpu.memory_space<vmem>>)
        } else {
        }
        %ne3A_203 = arith.cmpi ne, %add3A_139, %add3A_148 : i32
        %or3A_204 = arith.constant false
        %or3A_205 = arith.ori %or3A_204, %ne3A_203 : i1
        %or3A_206 = arith.constant false
        %or3A_207 = arith.ori %or3A_205, %or3A_206 : i1
        %or3A_208 = arith.constant false
        %or3A_209 = arith.ori %or3A_207, %or3A_208 : i1
        %or3A_210 = arith.ori %or3A_209, %eq3A_136 : i1
        %convert_element_type3A_211 = arith.extui %or3A_210 : i1 to i32
        %cond3A_212 = arith.constant 0 : i32
        %cond3A_213 = arith.cmpi ne, %convert_element_type3A_211, %cond3A_212 : i32
        scf.if %cond3A_213 {
        } else {
        }
        %rem3A_214 = arith.constant 2 : i32
        %rem3A_215 = arith.remui %scan3A_131, %rem3A_214 : i32
        %rem3A_216 = arith.constant 2 : i32
        %rem3A_217 = arith.remui %scan3A_132, %rem3A_216 : i32
        %dma_start3A_218 = arith.constant 0 : i32
        %dma_start3A_219 = arith.constant 0 : i32
        %dma_start3A_220 = arith.constant 0 : i32
        %dma_start3A_221 = arith.constant 0 : i32
        %dma_start3A_222 = arith.constant 0 : i32
        %dma_start3A_223 = arith.constant 0 : i32
        %dma_start3A_224 = tpu.memref_slice %run_scoped3A_8[%rem3A_217, %dma_start3A_221, %dma_start3A_222, %dma_start3A_223] : memref<2x8x50x128xf32, #tpu.memory_space<vmem>> -> memref<1x8x50x128xf32, #tpu.memory_space<vmem>>
        %dma_start3A_225 = tpu.memref_squeeze %dma_start3A_224 : memref<1x8x50x128xf32, #tpu.memory_space<vmem>> -> memref<8x50x128xf32, #tpu.memory_space<vmem>>
        %dma_start3A_226 = arith.constant 0 : i32
        %dma_start3A_227 = arith.constant 0 : i32
        %dma_start3A_228 = tpu.memref_slice %dma_start3A_225[%dma_start3A_220, %dma_start3A_226, %dma_start3A_227] : memref<8x50x128xf32, #tpu.memory_space<vmem>> -> memref<1x50x128xf32, #tpu.memory_space<vmem>>
        %dma_start3A_229 = tpu.memref_squeeze %dma_start3A_228 : memref<1x50x128xf32, #tpu.memory_space<vmem>> -> memref<50x128xf32, #tpu.memory_space<vmem>>
        %dma_start3A_230 = arith.constant 0 : i32
        %dma_start3A_231 = arith.constant 0 : i32
        %dma_start3A_232 = arith.constant 0 : i32
        %dma_start3A_233 = tpu.memref_slice %run_scoped3A[%rem3A_215, %dma_start3A_230, %dma_start3A_231, %dma_start3A_232] : memref<2x1x8x50xi32, #tpu.memory_space<vmem>> -> memref<1x1x8x50xi32, #tpu.memory_space<vmem>>
        %dma_start3A_234 = tpu.memref_squeeze %dma_start3A_233 : memref<1x1x8x50xi32, #tpu.memory_space<vmem>> -> memref<1x8x50xi32, #tpu.memory_space<vmem>>
        %dma_start3A_235 = arith.constant 0 : i32
        %dma_start3A_236 = tpu.memref_slice %dma_start3A_234[%dma_start3A_218, %dma_start3A_219, %dma_start3A_235] : memref<1x8x50xi32, #tpu.memory_space<vmem>> -> memref<1x1x50xi32, #tpu.memory_space<vmem>>
        %dma_start3A_237 = tpu.memref_squeeze %dma_start3A_236 : memref<1x1x50xi32, #tpu.memory_space<vmem>> -> memref<50xi32, #tpu.memory_space<vmem>>
        %dma_start3A_238 = arith.constant 0 : i32
        %dma_start3A_239 = arith.constant 0 : i32
        %dma_start3A_240 = tpu.memref_slice %arg2[%dma_start3A_238, %dma_start3A_239] : memref<100000x128xf32, #tpu.memory_space<hbm>> -> memref<100000x128xf32, #tpu.memory_space<hbm>>
        tpu.enqueue_indirect_dma source(%dma_start3A_240 : memref<100000x128xf32, #tpu.memory_space<hbm>>) target(%dma_start3A_229 : memref<50x128xf32, #tpu.memory_space<vmem>>) offsets(%dma_start3A_237 : memref<50xi32, #tpu.memory_space<vmem>>) semaphore(%arg5 : memref<!tpu.dma_semaphore, #tpu.memory_space<semaphore_mem>>)
        %dma_start3A_241 = arith.constant 0 : i32
        %dma_start3A_242 = arith.constant 1 : i32
        %dma_start3A_243 = arith.constant 1 : i32
        %dma_start3A_244 = arith.constant 0 : i32
        %dma_start3A_245 = arith.constant 0 : i32
        %dma_start3A_246 = arith.constant 0 : i32
        %dma_start3A_247 = tpu.memref_slice %run_scoped3A_8[%rem3A_217, %dma_start3A_244, %dma_start3A_245, %dma_start3A_246] : memref<2x8x50x128xf32, #tpu.memory_space<vmem>> -> memref<1x8x50x128xf32, #tpu.memory_space<vmem>>
        %dma_start3A_248 = tpu.memref_squeeze %dma_start3A_247 : memref<1x8x50x128xf32, #tpu.memory_space<vmem>> -> memref<8x50x128xf32, #tpu.memory_space<vmem>>
        %dma_start3A_249 = arith.constant 0 : i32
        %dma_start3A_250 = arith.constant 0 : i32
        %dma_start3A_251 = tpu.memref_slice %dma_start3A_248[%dma_start3A_243, %dma_start3A_249, %dma_start3A_250] : memref<8x50x128xf32, #tpu.memory_space<vmem>> -> memref<1x50x128xf32, #tpu.memory_space<vmem>>
        %dma_start3A_252 = tpu.memref_squeeze %dma_start3A_251 : memref<1x50x128xf32, #tpu.memory_space<vmem>> -> memref<50x128xf32, #tpu.memory_space<vmem>>
        %dma_start3A_253 = arith.constant 0 : i32
        %dma_start3A_254 = arith.constant 0 : i32
        %dma_start3A_255 = arith.constant 0 : i32
        %dma_start3A_256 = tpu.memref_slice %run_scoped3A[%rem3A_215, %dma_start3A_253, %dma_start3A_254, %dma_start3A_255] : memref<2x1x8x50xi32, #tpu.memory_space<vmem>> -> memref<1x1x8x50xi32, #tpu.memory_space<vmem>>
        %dma_start3A_257 = tpu.memref_squeeze %dma_start3A_256 : memref<1x1x8x50xi32, #tpu.memory_space<vmem>> -> memref<1x8x50xi32, #tpu.memory_space<vmem>>
        %dma_start3A_258 = arith.constant 0 : i32
        %dma_start3A_259 = tpu.memref_slice %dma_start3A_257[%dma_start3A_241, %dma_start3A_242, %dma_start3A_258] : memref<1x8x50xi32, #tpu.memory_space<vmem>> -> memref<1x1x50xi32, #tpu.memory_space<vmem>>
        %dma_start3A_260 = tpu.memref_squeeze %dma_start3A_259 : memref<1x1x50xi32, #tpu.memory_space<vmem>> -> memref<50xi32, #tpu.memory_space<vmem>>
        %dma_start3A_261 = arith.constant 0 : i32
        %dma_start3A_262 = arith.constant 0 : i32
        %dma_start3A_263 = tpu.memref_slice %arg2[%dma_start3A_261, %dma_start3A_262] : memref<100000x128xf32, #tpu.memory_space<hbm>> -> memref<100000x128xf32, #tpu.memory_space<hbm>>
        tpu.enqueue_indirect_dma source(%dma_start3A_263 : memref<100000x128xf32, #tpu.memory_space<hbm>>) target(%dma_start3A_252 : memref<50x128xf32, #tpu.memory_space<vmem>>) offsets(%dma_start3A_260 : memref<50xi32, #tpu.memory_space<vmem>>) semaphore(%arg5 : memref<!tpu.dma_semaphore, #tpu.memory_space<semaphore_mem>>)
        %dma_start3A_264 = arith.constant 0 : i32
        %dma_start3A_265 = arith.constant 2 : i32
        %dma_start3A_266 = arith.constant 2 : i32
        %dma_start3A_267 = arith.constant 0 : i32
        %dma_start3A_268 = arith.constant 0 : i32
        %dma_start3A_269 = arith.constant 0 : i32
        %dma_start3A_270 = tpu.memref_slice %run_scoped3A_8[%rem3A_217, %dma_start3A_267, %dma_start3A_268, %dma_start3A_269] : memref<2x8x50x128xf32, #tpu.memory_space<vmem>> -> memref<1x8x50x128xf32, #tpu.memory_space<vmem>>
        %dma_start3A_271 = tpu.memref_squeeze %dma_start3A_270 : memref<1x8x50x128xf32, #tpu.memory_space<vmem>> -> memref<8x50x128xf32, #tpu.memory_space<vmem>>
        %dma_start3A_272 = arith.constant 0 : i32
        %dma_start3A_273 = arith.constant 0 : i32
        %dma_start3A_274 = tpu.memref_slice %dma_start3A_271[%dma_start3A_266, %dma_start3A_272, %dma_start3A_273] : memref<8x50x128xf32, #tpu.memory_space<vmem>> -> memref<1x50x128xf32, #tpu.memory_space<vmem>>
        %dma_start3A_275 = tpu.memref_squeeze %dma_start3A_274 : memref<1x50x128xf32, #tpu.memory_space<vmem>> -> memref<50x128xf32, #tpu.memory_space<vmem>>
        %dma_start3A_276 = arith.constant 0 : i32
        %dma_start3A_277 = arith.constant 0 : i32
        %dma_start3A_278 = arith.constant 0 : i32
        %dma_start3A_279 = tpu.memref_slice %run_scoped3A[%rem3A_215, %dma_start3A_276, %dma_start3A_277, %dma_start3A_278] : memref<2x1x8x50xi32, #tpu.memory_space<vmem>> -> memref<1x1x8x50xi32, #tpu.memory_space<vmem>>
        %dma_start3A_280 = tpu.memref_squeeze %dma_start3A_279 : memref<1x1x8x50xi32, #tpu.memory_space<vmem>> -> memref<1x8x50xi32, #tpu.memory_space<vmem>>
        %dma_start3A_281 = arith.constant 0 : i32
        %dma_start3A_282 = tpu.memref_slice %dma_start3A_280[%dma_start3A_264, %dma_start3A_265, %dma_start3A_281] : memref<1x8x50xi32, #tpu.memory_space<vmem>> -> memref<1x1x50xi32, #tpu.memory_space<vmem>>
        %dma_start3A_283 = tpu.memref_squeeze %dma_start3A_282 : memref<1x1x50xi32, #tpu.memory_space<vmem>> -> memref<50xi32, #tpu.memory_space<vmem>>
        %dma_start3A_284 = arith.constant 0 : i32
        %dma_start3A_285 = arith.constant 0 : i32
        %dma_start3A_286 = tpu.memref_slice %arg2[%dma_start3A_284, %dma_start3A_285] : memref<100000x128xf32, #tpu.memory_space<hbm>> -> memref<100000x128xf32, #tpu.memory_space<hbm>>
        tpu.enqueue_indirect_dma source(%dma_start3A_286 : memref<100000x128xf32, #tpu.memory_space<hbm>>) target(%dma_start3A_275 : memref<50x128xf32, #tpu.memory_space<vmem>>) offsets(%dma_start3A_283 : memref<50xi32, #tpu.memory_space<vmem>>) semaphore(%arg5 : memref<!tpu.dma_semaphore, #tpu.memory_space<semaphore_mem>>)
        %dma_start3A_287 = arith.constant 0 : i32
        %dma_start3A_288 = arith.constant 3 : i32
        %dma_start3A_289 = arith.constant 3 : i32
        %dma_start3A_290 = arith.constant 0 : i32
        %dma_start3A_291 = arith.constant 0 : i32
        %dma_start3A_292 = arith.constant 0 : i32
        %dma_start3A_293 = tpu.memref_slice %run_scoped3A_8[%rem3A_217, %dma_start3A_290, %dma_start3A_291, %dma_start3A_292] : memref<2x8x50x128xf32, #tpu.memory_space<vmem>> -> memref<1x8x50x128xf32, #tpu.memory_space<vmem>>
        %dma_start3A_294 = tpu.memref_squeeze %dma_start3A_293 : memref<1x8x50x128xf32, #tpu.memory_space<vmem>> -> memref<8x50x128xf32, #tpu.memory_space<vmem>>
        %dma_start3A_295 = arith.constant 0 : i32
        %dma_start3A_296 = arith.constant 0 : i32
        %dma_start3A_297 = tpu.memref_slice %dma_start3A_294[%dma_start3A_289, %dma_start3A_295, %dma_start3A_296] : memref<8x50x128xf32, #tpu.memory_space<vmem>> -> memref<1x50x128xf32, #tpu.memory_space<vmem>>
        %dma_start3A_298 = tpu.memref_squeeze %dma_start3A_297 : memref<1x50x128xf32, #tpu.memory_space<vmem>> -> memref<50x128xf32, #tpu.memory_space<vmem>>
        %dma_start3A_299 = arith.constant 0 : i32
        %dma_start3A_300 = arith.constant 0 : i32
        %dma_start3A_301 = arith.constant 0 : i32
        %dma_start3A_302 = tpu.memref_slice %run_scoped3A[%rem3A_215, %dma_start3A_299, %dma_start3A_300, %dma_start3A_301] : memref<2x1x8x50xi32, #tpu.memory_space<vmem>> -> memref<1x1x8x50xi32, #tpu.memory_space<vmem>>
        %dma_start3A_303 = tpu.memref_squeeze %dma_start3A_302 : memref<1x1x8x50xi32, #tpu.memory_space<vmem>> -> memref<1x8x50xi32, #tpu.memory_space<vmem>>
        %dma_start3A_304 = arith.constant 0 : i32
        %dma_start3A_305 = tpu.memref_slice %dma_start3A_303[%dma_start3A_287, %dma_start3A_288, %dma_start3A_304] : memref<1x8x50xi32, #tpu.memory_space<vmem>> -> memref<1x1x50xi32, #tpu.memory_space<vmem>>
        %dma_start3A_306 = tpu.memref_squeeze %dma_start3A_305 : memref<1x1x50xi32, #tpu.memory_space<vmem>> -> memref<50xi32, #tpu.memory_space<vmem>>
        %dma_start3A_307 = arith.constant 0 : i32
        %dma_start3A_308 = arith.constant 0 : i32
        %dma_start3A_309 = tpu.memref_slice %arg2[%dma_start3A_307, %dma_start3A_308] : memref<100000x128xf32, #tpu.memory_space<hbm>> -> memref<100000x128xf32, #tpu.memory_space<hbm>>
        tpu.enqueue_indirect_dma source(%dma_start3A_309 : memref<100000x128xf32, #tpu.memory_space<hbm>>) target(%dma_start3A_298 : memref<50x128xf32, #tpu.memory_space<vmem>>) offsets(%dma_start3A_306 : memref<50xi32, #tpu.memory_space<vmem>>) semaphore(%arg5 : memref<!tpu.dma_semaphore, #tpu.memory_space<semaphore_mem>>)
        %dma_start3A_310 = arith.constant 0 : i32
        %dma_start3A_311 = arith.constant 4 : i32
        %dma_start3A_312 = arith.constant 4 : i32
        %dma_start3A_313 = arith.constant 0 : i32
        %dma_start3A_314 = arith.constant 0 : i32
        %dma_start3A_315 = arith.constant 0 : i32
        %dma_start3A_316 = tpu.memref_slice %run_scoped3A_8[%rem3A_217, %dma_start3A_313, %dma_start3A_314, %dma_start3A_315] : memref<2x8x50x128xf32, #tpu.memory_space<vmem>> -> memref<1x8x50x128xf32, #tpu.memory_space<vmem>>
        %dma_start3A_317 = tpu.memref_squeeze %dma_start3A_316 : memref<1x8x50x128xf32, #tpu.memory_space<vmem>> -> memref<8x50x128xf32, #tpu.memory_space<vmem>>
        %dma_start3A_318 = arith.constant 0 : i32
        %dma_start3A_319 = arith.constant 0 : i32
        %dma_start3A_320 = tpu.memref_slice %dma_start3A_317[%dma_start3A_312, %dma_start3A_318, %dma_start3A_319] : memref<8x50x128xf32, #tpu.memory_space<vmem>> -> memref<1x50x128xf32, #tpu.memory_space<vmem>>
        %dma_start3A_321 = tpu.memref_squeeze %dma_start3A_320 : memref<1x50x128xf32, #tpu.memory_space<vmem>> -> memref<50x128xf32, #tpu.memory_space<vmem>>
        %dma_start3A_322 = arith.constant 0 : i32
        %dma_start3A_323 = arith.constant 0 : i32
        %dma_start3A_324 = arith.constant 0 : i32
        %dma_start3A_325 = tpu.memref_slice %run_scoped3A[%rem3A_215, %dma_start3A_322, %dma_start3A_323, %dma_start3A_324] : memref<2x1x8x50xi32, #tpu.memory_space<vmem>> -> memref<1x1x8x50xi32, #tpu.memory_space<vmem>>
        %dma_start3A_326 = tpu.memref_squeeze %dma_start3A_325 : memref<1x1x8x50xi32, #tpu.memory_space<vmem>> -> memref<1x8x50xi32, #tpu.memory_space<vmem>>
        %dma_start3A_327 = arith.constant 0 : i32
        %dma_start3A_328 = tpu.memref_slice %dma_start3A_326[%dma_start3A_310, %dma_start3A_311, %dma_start3A_327] : memref<1x8x50xi32, #tpu.memory_space<vmem>> -> memref<1x1x50xi32, #tpu.memory_space<vmem>>
        %dma_start3A_329 = tpu.memref_squeeze %dma_start3A_328 : memref<1x1x50xi32, #tpu.memory_space<vmem>> -> memref<50xi32, #tpu.memory_space<vmem>>
        %dma_start3A_330 = arith.constant 0 : i32
        %dma_start3A_331 = arith.constant 0 : i32
        %dma_start3A_332 = tpu.memref_slice %arg2[%dma_start3A_330, %dma_start3A_331] : memref<100000x128xf32, #tpu.memory_space<hbm>> -> memref<100000x128xf32, #tpu.memory_space<hbm>>
        tpu.enqueue_indirect_dma source(%dma_start3A_332 : memref<100000x128xf32, #tpu.memory_space<hbm>>) target(%dma_start3A_321 : memref<50x128xf32, #tpu.memory_space<vmem>>) offsets(%dma_start3A_329 : memref<50xi32, #tpu.memory_space<vmem>>) semaphore(%arg5 : memref<!tpu.dma_semaphore, #tpu.memory_space<semaphore_mem>>)
        %dma_start3A_333 = arith.constant 0 : i32
        %dma_start3A_334 = arith.constant 5 : i32
        %dma_start3A_335 = arith.constant 5 : i32
        %dma_start3A_336 = arith.constant 0 : i32
        %dma_start3A_337 = arith.constant 0 : i32
        %dma_start3A_338 = arith.constant 0 : i32
        %dma_start3A_339 = tpu.memref_slice %run_scoped3A_8[%rem3A_217, %dma_start3A_336, %dma_start3A_337, %dma_start3A_338] : memref<2x8x50x128xf32, #tpu.memory_space<vmem>> -> memref<1x8x50x128xf32, #tpu.memory_space<vmem>>
        %dma_start3A_340 = tpu.memref_squeeze %dma_start3A_339 : memref<1x8x50x128xf32, #tpu.memory_space<vmem>> -> memref<8x50x128xf32, #tpu.memory_space<vmem>>
        %dma_start3A_341 = arith.constant 0 : i32
        %dma_start3A_342 = arith.constant 0 : i32
        %dma_start3A_343 = tpu.memref_slice %dma_start3A_340[%dma_start3A_335, %dma_start3A_341, %dma_start3A_342] : memref<8x50x128xf32, #tpu.memory_space<vmem>> -> memref<1x50x128xf32, #tpu.memory_space<vmem>>
        %dma_start3A_344 = tpu.memref_squeeze %dma_start3A_343 : memref<1x50x128xf32, #tpu.memory_space<vmem>> -> memref<50x128xf32, #tpu.memory_space<vmem>>
        %dma_start3A_345 = arith.constant 0 : i32
        %dma_start3A_346 = arith.constant 0 : i32
        %dma_start3A_347 = arith.constant 0 : i32
        %dma_start3A_348 = tpu.memref_slice %run_scoped3A[%rem3A_215, %dma_start3A_345, %dma_start3A_346, %dma_start3A_347] : memref<2x1x8x50xi32, #tpu.memory_space<vmem>> -> memref<1x1x8x50xi32, #tpu.memory_space<vmem>>
        %dma_start3A_349 = tpu.memref_squeeze %dma_start3A_348 : memref<1x1x8x50xi32, #tpu.memory_space<vmem>> -> memref<1x8x50xi32, #tpu.memory_space<vmem>>
        %dma_start3A_350 = arith.constant 0 : i32
        %dma_start3A_351 = tpu.memref_slice %dma_start3A_349[%dma_start3A_333, %dma_start3A_334, %dma_start3A_350] : memref<1x8x50xi32, #tpu.memory_space<vmem>> -> memref<1x1x50xi32, #tpu.memory_space<vmem>>
        %dma_start3A_352 = tpu.memref_squeeze %dma_start3A_351 : memref<1x1x50xi32, #tpu.memory_space<vmem>> -> memref<50xi32, #tpu.memory_space<vmem>>
        %dma_start3A_353 = arith.constant 0 : i32
        %dma_start3A_354 = arith.constant 0 : i32
        %dma_start3A_355 = tpu.memref_slice %arg2[%dma_start3A_353, %dma_start3A_354] : memref<100000x128xf32, #tpu.memory_space<hbm>> -> memref<100000x128xf32, #tpu.memory_space<hbm>>
        tpu.enqueue_indirect_dma source(%dma_start3A_355 : memref<100000x128xf32, #tpu.memory_space<hbm>>) target(%dma_start3A_344 : memref<50x128xf32, #tpu.memory_space<vmem>>) offsets(%dma_start3A_352 : memref<50xi32, #tpu.memory_space<vmem>>) semaphore(%arg5 : memref<!tpu.dma_semaphore, #tpu.memory_space<semaphore_mem>>)
        %dma_start3A_356 = arith.constant 0 : i32
        %dma_start3A_357 = arith.constant 6 : i32
        %dma_start3A_358 = arith.constant 6 : i32
        %dma_start3A_359 = arith.constant 0 : i32
        %dma_start3A_360 = arith.constant 0 : i32
        %dma_start3A_361 = arith.constant 0 : i32
        %dma_start3A_362 = tpu.memref_slice %run_scoped3A_8[%rem3A_217, %dma_start3A_359, %dma_start3A_360, %dma_start3A_361] : memref<2x8x50x128xf32, #tpu.memory_space<vmem>> -> memref<1x8x50x128xf32, #tpu.memory_space<vmem>>
        %dma_start3A_363 = tpu.memref_squeeze %dma_start3A_362 : memref<1x8x50x128xf32, #tpu.memory_space<vmem>> -> memref<8x50x128xf32, #tpu.memory_space<vmem>>
        %dma_start3A_364 = arith.constant 0 : i32
        %dma_start3A_365 = arith.constant 0 : i32
        %dma_start3A_366 = tpu.memref_slice %dma_start3A_363[%dma_start3A_358, %dma_start3A_364, %dma_start3A_365] : memref<8x50x128xf32, #tpu.memory_space<vmem>> -> memref<1x50x128xf32, #tpu.memory_space<vmem>>
        %dma_start3A_367 = tpu.memref_squeeze %dma_start3A_366 : memref<1x50x128xf32, #tpu.memory_space<vmem>> -> memref<50x128xf32, #tpu.memory_space<vmem>>
        %dma_start3A_368 = arith.constant 0 : i32
        %dma_start3A_369 = arith.constant 0 : i32
        %dma_start3A_370 = arith.constant 0 : i32
        %dma_start3A_371 = tpu.memref_slice %run_scoped3A[%rem3A_215, %dma_start3A_368, %dma_start3A_369, %dma_start3A_370] : memref<2x1x8x50xi32, #tpu.memory_space<vmem>> -> memref<1x1x8x50xi32, #tpu.memory_space<vmem>>
        %dma_start3A_372 = tpu.memref_squeeze %dma_start3A_371 : memref<1x1x8x50xi32, #tpu.memory_space<vmem>> -> memref<1x8x50xi32, #tpu.memory_space<vmem>>
        %dma_start3A_373 = arith.constant 0 : i32
        %dma_start3A_374 = tpu.memref_slice %dma_start3A_372[%dma_start3A_356, %dma_start3A_357, %dma_start3A_373] : memref<1x8x50xi32, #tpu.memory_space<vmem>> -> memref<1x1x50xi32, #tpu.memory_space<vmem>>
        %dma_start3A_375 = tpu.memref_squeeze %dma_start3A_374 : memref<1x1x50xi32, #tpu.memory_space<vmem>> -> memref<50xi32, #tpu.memory_space<vmem>>
        %dma_start3A_376 = arith.constant 0 : i32
        %dma_start3A_377 = arith.constant 0 : i32
        %dma_start3A_378 = tpu.memref_slice %arg2[%dma_start3A_376, %dma_start3A_377] : memref<100000x128xf32, #tpu.memory_space<hbm>> -> memref<100000x128xf32, #tpu.memory_space<hbm>>
        tpu.enqueue_indirect_dma source(%dma_start3A_378 : memref<100000x128xf32, #tpu.memory_space<hbm>>) target(%dma_start3A_367 : memref<50x128xf32, #tpu.memory_space<vmem>>) offsets(%dma_start3A_375 : memref<50xi32, #tpu.memory_space<vmem>>) semaphore(%arg5 : memref<!tpu.dma_semaphore, #tpu.memory_space<semaphore_mem>>)
        %dma_start3A_379 = arith.constant 0 : i32
        %dma_start3A_380 = arith.constant 7 : i32
        %dma_start3A_381 = arith.constant 7 : i32
        %dma_start3A_382 = arith.constant 0 : i32
        %dma_start3A_383 = arith.constant 0 : i32
        %dma_start3A_384 = arith.constant 0 : i32
        %dma_start3A_385 = tpu.memref_slice %run_scoped3A_8[%rem3A_217, %dma_start3A_382, %dma_start3A_383, %dma_start3A_384] : memref<2x8x50x128xf32, #tpu.memory_space<vmem>> -> memref<1x8x50x128xf32, #tpu.memory_space<vmem>>
        %dma_start3A_386 = tpu.memref_squeeze %dma_start3A_385 : memref<1x8x50x128xf32, #tpu.memory_space<vmem>> -> memref<8x50x128xf32, #tpu.memory_space<vmem>>
        %dma_start3A_387 = arith.constant 0 : i32
        %dma_start3A_388 = arith.constant 0 : i32
        %dma_start3A_389 = tpu.memref_slice %dma_start3A_386[%dma_start3A_381, %dma_start3A_387, %dma_start3A_388] : memref<8x50x128xf32, #tpu.memory_space<vmem>> -> memref<1x50x128xf32, #tpu.memory_space<vmem>>
        %dma_start3A_390 = tpu.memref_squeeze %dma_start3A_389 : memref<1x50x128xf32, #tpu.memory_space<vmem>> -> memref<50x128xf32, #tpu.memory_space<vmem>>
        %dma_start3A_391 = arith.constant 0 : i32
        %dma_start3A_392 = arith.constant 0 : i32
        %dma_start3A_393 = arith.constant 0 : i32
        %dma_start3A_394 = tpu.memref_slice %run_scoped3A[%rem3A_215, %dma_start3A_391, %dma_start3A_392, %dma_start3A_393] : memref<2x1x8x50xi32, #tpu.memory_space<vmem>> -> memref<1x1x8x50xi32, #tpu.memory_space<vmem>>
        %dma_start3A_395 = tpu.memref_squeeze %dma_start3A_394 : memref<1x1x8x50xi32, #tpu.memory_space<vmem>> -> memref<1x8x50xi32, #tpu.memory_space<vmem>>
        %dma_start3A_396 = arith.constant 0 : i32
        %dma_start3A_397 = tpu.memref_slice %dma_start3A_395[%dma_start3A_379, %dma_start3A_380, %dma_start3A_396] : memref<1x8x50xi32, #tpu.memory_space<vmem>> -> memref<1x1x50xi32, #tpu.memory_space<vmem>>
        %dma_start3A_398 = tpu.memref_squeeze %dma_start3A_397 : memref<1x1x50xi32, #tpu.memory_space<vmem>> -> memref<50xi32, #tpu.memory_space<vmem>>
        %dma_start3A_399 = arith.constant 0 : i32
        %dma_start3A_400 = arith.constant 0 : i32
        %dma_start3A_401 = tpu.memref_slice %arg2[%dma_start3A_399, %dma_start3A_400] : memref<100000x128xf32, #tpu.memory_space<hbm>> -> memref<100000x128xf32, #tpu.memory_space<hbm>>
        tpu.enqueue_indirect_dma source(%dma_start3A_401 : memref<100000x128xf32, #tpu.memory_space<hbm>>) target(%dma_start3A_390 : memref<50x128xf32, #tpu.memory_space<vmem>>) offsets(%dma_start3A_398 : memref<50xi32, #tpu.memory_space<vmem>>) semaphore(%arg5 : memref<!tpu.dma_semaphore, #tpu.memory_space<semaphore_mem>>)
        %dma_wait3A_402 = arith.constant 0 : i32
        %dma_wait3A_403 = arith.constant 0 : i32
        %dma_wait3A_404 = arith.constant 0 : i32
        %dma_wait3A_405 = arith.constant 0 : i32
        %dma_wait3A_406 = arith.constant 0 : i32
        %dma_wait3A_407 = arith.constant 0 : i32
        %dma_wait3A_408 = tpu.memref_slice %run_scoped3A_8[%rem3A_217, %dma_wait3A_405, %dma_wait3A_406, %dma_wait3A_407] : memref<2x8x50x128xf32, #tpu.memory_space<vmem>> -> memref<1x8x50x128xf32, #tpu.memory_space<vmem>>
        %dma_wait3A_409 = tpu.memref_squeeze %dma_wait3A_408 : memref<1x8x50x128xf32, #tpu.memory_space<vmem>> -> memref<8x50x128xf32, #tpu.memory_space<vmem>>
        %dma_wait3A_410 = arith.constant 0 : i32
        %dma_wait3A_411 = arith.constant 0 : i32
        %dma_wait3A_412 = tpu.memref_slice %dma_wait3A_409[%dma_wait3A_404, %dma_wait3A_410, %dma_wait3A_411] : memref<8x50x128xf32, #tpu.memory_space<vmem>> -> memref<1x50x128xf32, #tpu.memory_space<vmem>>
        %dma_wait3A_413 = tpu.memref_squeeze %dma_wait3A_412 : memref<1x50x128xf32, #tpu.memory_space<vmem>> -> memref<50x128xf32, #tpu.memory_space<vmem>>
        %dma_wait3A_414 = arith.constant 0 : i32
        %dma_wait3A_415 = arith.constant 0 : i32
        %dma_wait3A_416 = arith.constant 0 : i32
        %dma_wait3A_417 = tpu.memref_slice %run_scoped3A[%rem3A_215, %dma_wait3A_414, %dma_wait3A_415, %dma_wait3A_416] : memref<2x1x8x50xi32, #tpu.memory_space<vmem>> -> memref<1x1x8x50xi32, #tpu.memory_space<vmem>>
        %dma_wait3A_418 = tpu.memref_squeeze %dma_wait3A_417 : memref<1x1x8x50xi32, #tpu.memory_space<vmem>> -> memref<1x8x50xi32, #tpu.memory_space<vmem>>
        %dma_wait3A_419 = arith.constant 0 : i32
        %dma_wait3A_420 = tpu.memref_slice %dma_wait3A_418[%dma_wait3A_402, %dma_wait3A_403, %dma_wait3A_419] : memref<1x8x50xi32, #tpu.memory_space<vmem>> -> memref<1x1x50xi32, #tpu.memory_space<vmem>>
        %dma_wait3A_421 = tpu.memref_squeeze %dma_wait3A_420 : memref<1x1x50xi32, #tpu.memory_space<vmem>> -> memref<50xi32, #tpu.memory_space<vmem>>
        %dma_wait3A_422 = arith.constant 0 : i32
        %dma_wait3A_423 = arith.constant 0 : i32
        %dma_wait3A_424 = tpu.memref_slice %arg2[%dma_wait3A_422, %dma_wait3A_423] : memref<100000x128xf32, #tpu.memory_space<hbm>> -> memref<100000x128xf32, #tpu.memory_space<hbm>>
        tpu.wait_indirect_dma semaphore(%arg5 : memref<!tpu.dma_semaphore, #tpu.memory_space<semaphore_mem>>) src(%dma_wait3A_424 : memref<100000x128xf32, #tpu.memory_space<hbm>>) dst(%dma_wait3A_413 : memref<50x128xf32, #tpu.memory_space<vmem>>)
        %dma_wait3A_425 = arith.constant 0 : i32
        %dma_wait3A_426 = arith.constant 1 : i32
        %dma_wait3A_427 = arith.constant 1 : i32
        %dma_wait3A_428 = arith.constant 0 : i32
        %dma_wait3A_429 = arith.constant 0 : i32
        %dma_wait3A_430 = arith.constant 0 : i32
        %dma_wait3A_431 = tpu.memref_slice %run_scoped3A_8[%rem3A_217, %dma_wait3A_428, %dma_wait3A_429, %dma_wait3A_430] : memref<2x8x50x128xf32, #tpu.memory_space<vmem>> -> memref<1x8x50x128xf32, #tpu.memory_space<vmem>>
        %dma_wait3A_432 = tpu.memref_squeeze %dma_wait3A_431 : memref<1x8x50x128xf32, #tpu.memory_space<vmem>> -> memref<8x50x128xf32, #tpu.memory_space<vmem>>
        %dma_wait3A_433 = arith.constant 0 : i32
        %dma_wait3A_434 = arith.constant 0 : i32
        %dma_wait3A_435 = tpu.memref_slice %dma_wait3A_432[%dma_wait3A_427, %dma_wait3A_433, %dma_wait3A_434] : memref<8x50x128xf32, #tpu.memory_space<vmem>> -> memref<1x50x128xf32, #tpu.memory_space<vmem>>
        %dma_wait3A_436 = tpu.memref_squeeze %dma_wait3A_435 : memref<1x50x128xf32, #tpu.memory_space<vmem>> -> memref<50x128xf32, #tpu.memory_space<vmem>>
        %dma_wait3A_437 = arith.constant 0 : i32
        %dma_wait3A_438 = arith.constant 0 : i32
        %dma_wait3A_439 = arith.constant 0 : i32
        %dma_wait3A_440 = tpu.memref_slice %run_scoped3A[%rem3A_215, %dma_wait3A_437, %dma_wait3A_438, %dma_wait3A_439] : memref<2x1x8x50xi32, #tpu.memory_space<vmem>> -> memref<1x1x8x50xi32, #tpu.memory_space<vmem>>
        %dma_wait3A_441 = tpu.memref_squeeze %dma_wait3A_440 : memref<1x1x8x50xi32, #tpu.memory_space<vmem>> -> memref<1x8x50xi32, #tpu.memory_space<vmem>>
        %dma_wait3A_442 = arith.constant 0 : i32
        %dma_wait3A_443 = tpu.memref_slice %dma_wait3A_441[%dma_wait3A_425, %dma_wait3A_426, %dma_wait3A_442] : memref<1x8x50xi32, #tpu.memory_space<vmem>> -> memref<1x1x50xi32, #tpu.memory_space<vmem>>
        %dma_wait3A_444 = tpu.memref_squeeze %dma_wait3A_443 : memref<1x1x50xi32, #tpu.memory_space<vmem>> -> memref<50xi32, #tpu.memory_space<vmem>>
        %dma_wait3A_445 = arith.constant 0 : i32
        %dma_wait3A_446 = arith.constant 0 : i32
        %dma_wait3A_447 = tpu.memref_slice %arg2[%dma_wait3A_445, %dma_wait3A_446] : memref<100000x128xf32, #tpu.memory_space<hbm>> -> memref<100000x128xf32, #tpu.memory_space<hbm>>
        tpu.wait_indirect_dma semaphore(%arg5 : memref<!tpu.dma_semaphore, #tpu.memory_space<semaphore_mem>>) src(%dma_wait3A_447 : memref<100000x128xf32, #tpu.memory_space<hbm>>) dst(%dma_wait3A_436 : memref<50x128xf32, #tpu.memory_space<vmem>>)
        %dma_wait3A_448 = arith.constant 0 : i32
        %dma_wait3A_449 = arith.constant 2 : i32
        %dma_wait3A_450 = arith.constant 2 : i32
        %dma_wait3A_451 = arith.constant 0 : i32
        %dma_wait3A_452 = arith.constant 0 : i32
        %dma_wait3A_453 = arith.constant 0 : i32
        %dma_wait3A_454 = tpu.memref_slice %run_scoped3A_8[%rem3A_217, %dma_wait3A_451, %dma_wait3A_452, %dma_wait3A_453] : memref<2x8x50x128xf32, #tpu.memory_space<vmem>> -> memref<1x8x50x128xf32, #tpu.memory_space<vmem>>
        %dma_wait3A_455 = tpu.memref_squeeze %dma_wait3A_454 : memref<1x8x50x128xf32, #tpu.memory_space<vmem>> -> memref<8x50x128xf32, #tpu.memory_space<vmem>>
        %dma_wait3A_456 = arith.constant 0 : i32
        %dma_wait3A_457 = arith.constant 0 : i32
        %dma_wait3A_458 = tpu.memref_slice %dma_wait3A_455[%dma_wait3A_450, %dma_wait3A_456, %dma_wait3A_457] : memref<8x50x128xf32, #tpu.memory_space<vmem>> -> memref<1x50x128xf32, #tpu.memory_space<vmem>>
        %dma_wait3A_459 = tpu.memref_squeeze %dma_wait3A_458 : memref<1x50x128xf32, #tpu.memory_space<vmem>> -> memref<50x128xf32, #tpu.memory_space<vmem>>
        %dma_wait3A_460 = arith.constant 0 : i32
        %dma_wait3A_461 = arith.constant 0 : i32
        %dma_wait3A_462 = arith.constant 0 : i32
        %dma_wait3A_463 = tpu.memref_slice %run_scoped3A[%rem3A_215, %dma_wait3A_460, %dma_wait3A_461, %dma_wait3A_462] : memref<2x1x8x50xi32, #tpu.memory_space<vmem>> -> memref<1x1x8x50xi32, #tpu.memory_space<vmem>>
        %dma_wait3A_464 = tpu.memref_squeeze %dma_wait3A_463 : memref<1x1x8x50xi32, #tpu.memory_space<vmem>> -> memref<1x8x50xi32, #tpu.memory_space<vmem>>
        %dma_wait3A_465 = arith.constant 0 : i32
        %dma_wait3A_466 = tpu.memref_slice %dma_wait3A_464[%dma_wait3A_448, %dma_wait3A_449, %dma_wait3A_465] : memref<1x8x50xi32, #tpu.memory_space<vmem>> -> memref<1x1x50xi32, #tpu.memory_space<vmem>>
        %dma_wait3A_467 = tpu.memref_squeeze %dma_wait3A_466 : memref<1x1x50xi32, #tpu.memory_space<vmem>> -> memref<50xi32, #tpu.memory_space<vmem>>
        %dma_wait3A_468 = arith.constant 0 : i32
        %dma_wait3A_469 = arith.constant 0 : i32
        %dma_wait3A_470 = tpu.memref_slice %arg2[%dma_wait3A_468, %dma_wait3A_469] : memref<100000x128xf32, #tpu.memory_space<hbm>> -> memref<100000x128xf32, #tpu.memory_space<hbm>>
        tpu.wait_indirect_dma semaphore(%arg5 : memref<!tpu.dma_semaphore, #tpu.memory_space<semaphore_mem>>) src(%dma_wait3A_470 : memref<100000x128xf32, #tpu.memory_space<hbm>>) dst(%dma_wait3A_459 : memref<50x128xf32, #tpu.memory_space<vmem>>)
        %dma_wait3A_471 = arith.constant 0 : i32
        %dma_wait3A_472 = arith.constant 3 : i32
        %dma_wait3A_473 = arith.constant 3 : i32
        %dma_wait3A_474 = arith.constant 0 : i32
        %dma_wait3A_475 = arith.constant 0 : i32
        %dma_wait3A_476 = arith.constant 0 : i32
        %dma_wait3A_477 = tpu.memref_slice %run_scoped3A_8[%rem3A_217, %dma_wait3A_474, %dma_wait3A_475, %dma_wait3A_476] : memref<2x8x50x128xf32, #tpu.memory_space<vmem>> -> memref<1x8x50x128xf32, #tpu.memory_space<vmem>>
        %dma_wait3A_478 = tpu.memref_squeeze %dma_wait3A_477 : memref<1x8x50x128xf32, #tpu.memory_space<vmem>> -> memref<8x50x128xf32, #tpu.memory_space<vmem>>
        %dma_wait3A_479 = arith.constant 0 : i32
        %dma_wait3A_480 = arith.constant 0 : i32
        %dma_wait3A_481 = tpu.memref_slice %dma_wait3A_478[%dma_wait3A_473, %dma_wait3A_479, %dma_wait3A_480] : memref<8x50x128xf32, #tpu.memory_space<vmem>> -> memref<1x50x128xf32, #tpu.memory_space<vmem>>
        %dma_wait3A_482 = tpu.memref_squeeze %dma_wait3A_481 : memref<1x50x128xf32, #tpu.memory_space<vmem>> -> memref<50x128xf32, #tpu.memory_space<vmem>>
        %dma_wait3A_483 = arith.constant 0 : i32
        %dma_wait3A_484 = arith.constant 0 : i32
        %dma_wait3A_485 = arith.constant 0 : i32
        %dma_wait3A_486 = tpu.memref_slice %run_scoped3A[%rem3A_215, %dma_wait3A_483, %dma_wait3A_484, %dma_wait3A_485] : memref<2x1x8x50xi32, #tpu.memory_space<vmem>> -> memref<1x1x8x50xi32, #tpu.memory_space<vmem>>
        %dma_wait3A_487 = tpu.memref_squeeze %dma_wait3A_486 : memref<1x1x8x50xi32, #tpu.memory_space<vmem>> -> memref<1x8x50xi32, #tpu.memory_space<vmem>>
        %dma_wait3A_488 = arith.constant 0 : i32
        %dma_wait3A_489 = tpu.memref_slice %dma_wait3A_487[%dma_wait3A_471, %dma_wait3A_472, %dma_wait3A_488] : memref<1x8x50xi32, #tpu.memory_space<vmem>> -> memref<1x1x50xi32, #tpu.memory_space<vmem>>
        %dma_wait3A_490 = tpu.memref_squeeze %dma_wait3A_489 : memref<1x1x50xi32, #tpu.memory_space<vmem>> -> memref<50xi32, #tpu.memory_space<vmem>>
        %dma_wait3A_491 = arith.constant 0 : i32
        %dma_wait3A_492 = arith.constant 0 : i32
        %dma_wait3A_493 = tpu.memref_slice %arg2[%dma_wait3A_491, %dma_wait3A_492] : memref<100000x128xf32, #tpu.memory_space<hbm>> -> memref<100000x128xf32, #tpu.memory_space<hbm>>
        tpu.wait_indirect_dma semaphore(%arg5 : memref<!tpu.dma_semaphore, #tpu.memory_space<semaphore_mem>>) src(%dma_wait3A_493 : memref<100000x128xf32, #tpu.memory_space<hbm>>) dst(%dma_wait3A_482 : memref<50x128xf32, #tpu.memory_space<vmem>>)
        %dma_wait3A_494 = arith.constant 0 : i32
        %dma_wait3A_495 = arith.constant 4 : i32
        %dma_wait3A_496 = arith.constant 4 : i32
        %dma_wait3A_497 = arith.constant 0 : i32
        %dma_wait3A_498 = arith.constant 0 : i32
        %dma_wait3A_499 = arith.constant 0 : i32
        %dma_wait3A_500 = tpu.memref_slice %run_scoped3A_8[%rem3A_217, %dma_wait3A_497, %dma_wait3A_498, %dma_wait3A_499] : memref<2x8x50x128xf32, #tpu.memory_space<vmem>> -> memref<1x8x50x128xf32, #tpu.memory_space<vmem>>
        %dma_wait3A_501 = tpu.memref_squeeze %dma_wait3A_500 : memref<1x8x50x128xf32, #tpu.memory_space<vmem>> -> memref<8x50x128xf32, #tpu.memory_space<vmem>>
        %dma_wait3A_502 = arith.constant 0 : i32
        %dma_wait3A_503 = arith.constant 0 : i32
        %dma_wait3A_504 = tpu.memref_slice %dma_wait3A_501[%dma_wait3A_496, %dma_wait3A_502, %dma_wait3A_503] : memref<8x50x128xf32, #tpu.memory_space<vmem>> -> memref<1x50x128xf32, #tpu.memory_space<vmem>>
        %dma_wait3A_505 = tpu.memref_squeeze %dma_wait3A_504 : memref<1x50x128xf32, #tpu.memory_space<vmem>> -> memref<50x128xf32, #tpu.memory_space<vmem>>
        %dma_wait3A_506 = arith.constant 0 : i32
        %dma_wait3A_507 = arith.constant 0 : i32
        %dma_wait3A_508 = arith.constant 0 : i32
        %dma_wait3A_509 = tpu.memref_slice %run_scoped3A[%rem3A_215, %dma_wait3A_506, %dma_wait3A_507, %dma_wait3A_508] : memref<2x1x8x50xi32, #tpu.memory_space<vmem>> -> memref<1x1x8x50xi32, #tpu.memory_space<vmem>>
        %dma_wait3A_510 = tpu.memref_squeeze %dma_wait3A_509 : memref<1x1x8x50xi32, #tpu.memory_space<vmem>> -> memref<1x8x50xi32, #tpu.memory_space<vmem>>
        %dma_wait3A_511 = arith.constant 0 : i32
        %dma_wait3A_512 = tpu.memref_slice %dma_wait3A_510[%dma_wait3A_494, %dma_wait3A_495, %dma_wait3A_511] : memref<1x8x50xi32, #tpu.memory_space<vmem>> -> memref<1x1x50xi32, #tpu.memory_space<vmem>>
        %dma_wait3A_513 = tpu.memref_squeeze %dma_wait3A_512 : memref<1x1x50xi32, #tpu.memory_space<vmem>> -> memref<50xi32, #tpu.memory_space<vmem>>
        %dma_wait3A_514 = arith.constant 0 : i32
        %dma_wait3A_515 = arith.constant 0 : i32
        %dma_wait3A_516 = tpu.memref_slice %arg2[%dma_wait3A_514, %dma_wait3A_515] : memref<100000x128xf32, #tpu.memory_space<hbm>> -> memref<100000x128xf32, #tpu.memory_space<hbm>>
        tpu.wait_indirect_dma semaphore(%arg5 : memref<!tpu.dma_semaphore, #tpu.memory_space<semaphore_mem>>) src(%dma_wait3A_516 : memref<100000x128xf32, #tpu.memory_space<hbm>>) dst(%dma_wait3A_505 : memref<50x128xf32, #tpu.memory_space<vmem>>)
        %dma_wait3A_517 = arith.constant 0 : i32
        %dma_wait3A_518 = arith.constant 5 : i32
        %dma_wait3A_519 = arith.constant 5 : i32
        %dma_wait3A_520 = arith.constant 0 : i32
        %dma_wait3A_521 = arith.constant 0 : i32
        %dma_wait3A_522 = arith.constant 0 : i32
        %dma_wait3A_523 = tpu.memref_slice %run_scoped3A_8[%rem3A_217, %dma_wait3A_520, %dma_wait3A_521, %dma_wait3A_522] : memref<2x8x50x128xf32, #tpu.memory_space<vmem>> -> memref<1x8x50x128xf32, #tpu.memory_space<vmem>>
        %dma_wait3A_524 = tpu.memref_squeeze %dma_wait3A_523 : memref<1x8x50x128xf32, #tpu.memory_space<vmem>> -> memref<8x50x128xf32, #tpu.memory_space<vmem>>
        %dma_wait3A_525 = arith.constant 0 : i32
        %dma_wait3A_526 = arith.constant 0 : i32
        %dma_wait3A_527 = tpu.memref_slice %dma_wait3A_524[%dma_wait3A_519, %dma_wait3A_525, %dma_wait3A_526] : memref<8x50x128xf32, #tpu.memory_space<vmem>> -> memref<1x50x128xf32, #tpu.memory_space<vmem>>
        %dma_wait3A_528 = tpu.memref_squeeze %dma_wait3A_527 : memref<1x50x128xf32, #tpu.memory_space<vmem>> -> memref<50x128xf32, #tpu.memory_space<vmem>>
        %dma_wait3A_529 = arith.constant 0 : i32
        %dma_wait3A_530 = arith.constant 0 : i32
        %dma_wait3A_531 = arith.constant 0 : i32
        %dma_wait3A_532 = tpu.memref_slice %run_scoped3A[%rem3A_215, %dma_wait3A_529, %dma_wait3A_530, %dma_wait3A_531] : memref<2x1x8x50xi32, #tpu.memory_space<vmem>> -> memref<1x1x8x50xi32, #tpu.memory_space<vmem>>
        %dma_wait3A_533 = tpu.memref_squeeze %dma_wait3A_532 : memref<1x1x8x50xi32, #tpu.memory_space<vmem>> -> memref<1x8x50xi32, #tpu.memory_space<vmem>>
        %dma_wait3A_534 = arith.constant 0 : i32
        %dma_wait3A_535 = tpu.memref_slice %dma_wait3A_533[%dma_wait3A_517, %dma_wait3A_518, %dma_wait3A_534] : memref<1x8x50xi32, #tpu.memory_space<vmem>> -> memref<1x1x50xi32, #tpu.memory_space<vmem>>
        %dma_wait3A_536 = tpu.memref_squeeze %dma_wait3A_535 : memref<1x1x50xi32, #tpu.memory_space<vmem>> -> memref<50xi32, #tpu.memory_space<vmem>>
        %dma_wait3A_537 = arith.constant 0 : i32
        %dma_wait3A_538 = arith.constant 0 : i32
        %dma_wait3A_539 = tpu.memref_slice %arg2[%dma_wait3A_537, %dma_wait3A_538] : memref<100000x128xf32, #tpu.memory_space<hbm>> -> memref<100000x128xf32, #tpu.memory_space<hbm>>
        tpu.wait_indirect_dma semaphore(%arg5 : memref<!tpu.dma_semaphore, #tpu.memory_space<semaphore_mem>>) src(%dma_wait3A_539 : memref<100000x128xf32, #tpu.memory_space<hbm>>) dst(%dma_wait3A_528 : memref<50x128xf32, #tpu.memory_space<vmem>>)
        %dma_wait3A_540 = arith.constant 0 : i32
        %dma_wait3A_541 = arith.constant 6 : i32
        %dma_wait3A_542 = arith.constant 6 : i32
        %dma_wait3A_543 = arith.constant 0 : i32
        %dma_wait3A_544 = arith.constant 0 : i32
        %dma_wait3A_545 = arith.constant 0 : i32
        %dma_wait3A_546 = tpu.memref_slice %run_scoped3A_8[%rem3A_217, %dma_wait3A_543, %dma_wait3A_544, %dma_wait3A_545] : memref<2x8x50x128xf32, #tpu.memory_space<vmem>> -> memref<1x8x50x128xf32, #tpu.memory_space<vmem>>
        %dma_wait3A_547 = tpu.memref_squeeze %dma_wait3A_546 : memref<1x8x50x128xf32, #tpu.memory_space<vmem>> -> memref<8x50x128xf32, #tpu.memory_space<vmem>>
        %dma_wait3A_548 = arith.constant 0 : i32
        %dma_wait3A_549 = arith.constant 0 : i32
        %dma_wait3A_550 = tpu.memref_slice %dma_wait3A_547[%dma_wait3A_542, %dma_wait3A_548, %dma_wait3A_549] : memref<8x50x128xf32, #tpu.memory_space<vmem>> -> memref<1x50x128xf32, #tpu.memory_space<vmem>>
        %dma_wait3A_551 = tpu.memref_squeeze %dma_wait3A_550 : memref<1x50x128xf32, #tpu.memory_space<vmem>> -> memref<50x128xf32, #tpu.memory_space<vmem>>
        %dma_wait3A_552 = arith.constant 0 : i32
        %dma_wait3A_553 = arith.constant 0 : i32
        %dma_wait3A_554 = arith.constant 0 : i32
        %dma_wait3A_555 = tpu.memref_slice %run_scoped3A[%rem3A_215, %dma_wait3A_552, %dma_wait3A_553, %dma_wait3A_554] : memref<2x1x8x50xi32, #tpu.memory_space<vmem>> -> memref<1x1x8x50xi32, #tpu.memory_space<vmem>>
        %dma_wait3A_556 = tpu.memref_squeeze %dma_wait3A_555 : memref<1x1x8x50xi32, #tpu.memory_space<vmem>> -> memref<1x8x50xi32, #tpu.memory_space<vmem>>
        %dma_wait3A_557 = arith.constant 0 : i32
        %dma_wait3A_558 = tpu.memref_slice %dma_wait3A_556[%dma_wait3A_540, %dma_wait3A_541, %dma_wait3A_557] : memref<1x8x50xi32, #tpu.memory_space<vmem>> -> memref<1x1x50xi32, #tpu.memory_space<vmem>>
        %dma_wait3A_559 = tpu.memref_squeeze %dma_wait3A_558 : memref<1x1x50xi32, #tpu.memory_space<vmem>> -> memref<50xi32, #tpu.memory_space<vmem>>
        %dma_wait3A_560 = arith.constant 0 : i32
        %dma_wait3A_561 = arith.constant 0 : i32
        %dma_wait3A_562 = tpu.memref_slice %arg2[%dma_wait3A_560, %dma_wait3A_561] : memref<100000x128xf32, #tpu.memory_space<hbm>> -> memref<100000x128xf32, #tpu.memory_space<hbm>>
        tpu.wait_indirect_dma semaphore(%arg5 : memref<!tpu.dma_semaphore, #tpu.memory_space<semaphore_mem>>) src(%dma_wait3A_562 : memref<100000x128xf32, #tpu.memory_space<hbm>>) dst(%dma_wait3A_551 : memref<50x128xf32, #tpu.memory_space<vmem>>)
        %dma_wait3A_563 = arith.constant 0 : i32
        %dma_wait3A_564 = arith.constant 7 : i32
        %dma_wait3A_565 = arith.constant 7 : i32
        %dma_wait3A_566 = arith.constant 0 : i32
        %dma_wait3A_567 = arith.constant 0 : i32
        %dma_wait3A_568 = arith.constant 0 : i32
        %dma_wait3A_569 = tpu.memref_slice %run_scoped3A_8[%rem3A_217, %dma_wait3A_566, %dma_wait3A_567, %dma_wait3A_568] : memref<2x8x50x128xf32, #tpu.memory_space<vmem>> -> memref<1x8x50x128xf32, #tpu.memory_space<vmem>>
        %dma_wait3A_570 = tpu.memref_squeeze %dma_wait3A_569 : memref<1x8x50x128xf32, #tpu.memory_space<vmem>> -> memref<8x50x128xf32, #tpu.memory_space<vmem>>
        %dma_wait3A_571 = arith.constant 0 : i32
        %dma_wait3A_572 = arith.constant 0 : i32
        %dma_wait3A_573 = tpu.memref_slice %dma_wait3A_570[%dma_wait3A_565, %dma_wait3A_571, %dma_wait3A_572] : memref<8x50x128xf32, #tpu.memory_space<vmem>> -> memref<1x50x128xf32, #tpu.memory_space<vmem>>
        %dma_wait3A_574 = tpu.memref_squeeze %dma_wait3A_573 : memref<1x50x128xf32, #tpu.memory_space<vmem>> -> memref<50x128xf32, #tpu.memory_space<vmem>>
        %dma_wait3A_575 = arith.constant 0 : i32
        %dma_wait3A_576 = arith.constant 0 : i32
        %dma_wait3A_577 = arith.constant 0 : i32
        %dma_wait3A_578 = tpu.memref_slice %run_scoped3A[%rem3A_215, %dma_wait3A_575, %dma_wait3A_576, %dma_wait3A_577] : memref<2x1x8x50xi32, #tpu.memory_space<vmem>> -> memref<1x1x8x50xi32, #tpu.memory_space<vmem>>
        %dma_wait3A_579 = tpu.memref_squeeze %dma_wait3A_578 : memref<1x1x8x50xi32, #tpu.memory_space<vmem>> -> memref<1x8x50xi32, #tpu.memory_space<vmem>>
        %dma_wait3A_580 = arith.constant 0 : i32
        %dma_wait3A_581 = tpu.memref_slice %dma_wait3A_579[%dma_wait3A_563, %dma_wait3A_564, %dma_wait3A_580] : memref<1x8x50xi32, #tpu.memory_space<vmem>> -> memref<1x1x50xi32, #tpu.memory_space<vmem>>
        %dma_wait3A_582 = tpu.memref_squeeze %dma_wait3A_581 : memref<1x1x50xi32, #tpu.memory_space<vmem>> -> memref<50xi32, #tpu.memory_space<vmem>>
        %dma_wait3A_583 = arith.constant 0 : i32
        %dma_wait3A_584 = arith.constant 0 : i32
        %dma_wait3A_585 = tpu.memref_slice %arg2[%dma_wait3A_583, %dma_wait3A_584] : memref<100000x128xf32, #tpu.memory_space<hbm>> -> memref<100000x128xf32, #tpu.memory_space<hbm>>
        tpu.wait_indirect_dma semaphore(%arg5 : memref<!tpu.dma_semaphore, #tpu.memory_space<semaphore_mem>>) src(%dma_wait3A_585 : memref<100000x128xf32, #tpu.memory_space<hbm>>) dst(%dma_wait3A_574 : memref<50x128xf32, #tpu.memory_space<vmem>>)
        %ne3A_586 = arith.cmpi ne, %add3A_139, %add3A_157 : i32
        %or3A_587 = arith.constant false
        %or3A_588 = arith.ori %or3A_587, %ne3A_586 : i1
        %or3A_589 = arith.constant false
        %or3A_590 = arith.ori %or3A_588, %or3A_589 : i1
        %or3A_591 = arith.constant false
        %or3A_592 = arith.ori %or3A_590, %or3A_591 : i1
        %or3A_593 = arith.ori %or3A_592, %eq3A_138 : i1
        %convert_element_type3A_594 = arith.extui %or3A_593 : i1 to i32
        %cond3A_595 = arith.constant 0 : i32
        %cond3A_596 = arith.cmpi ne, %convert_element_type3A_594, %cond3A_595 : i32
        scf.if %cond3A_596 {
        } else {
        }
        %and3A_597 = arith.constant false
        %and3A_598 = arith.andi %or3A_593, %and3A_597 : i1
        %ne3A_599 = arith.cmpi ne, %add3A_139, %add3A_157 : i32
        %or3A_600 = arith.constant false
        %or3A_601 = arith.ori %or3A_600, %ne3A_599 : i1
        %or3A_602 = arith.constant false
        %or3A_603 = arith.ori %or3A_601, %or3A_602 : i1
        %or3A_604 = arith.constant false
        %or3A_605 = arith.ori %or3A_603, %or3A_604 : i1
        %or3A_606 = arith.ori %or3A_605, %eq3A_138 : i1
        %convert_element_type3A_607 = arith.extui %or3A_606 : i1 to i32
        %cond3A_608 = arith.constant 0 : i32
        %cond3A_609 = arith.cmpi ne, %convert_element_type3A_607, %cond3A_608 : i32
        scf.if %cond3A_609 {
          %rem3A_667 = arith.constant 2 : i32
          %rem3A_668 = arith.remui %scan3A_132, %rem3A_667 : i32
          %mul3A_669 = arith.constant 8 : i32
          %mul3A_670 = arith.muli %mul3A_669, %add3A_139 : i32
          %dma_start3A_671 = arith.constant 0 : i32
          %dma_start3A_672 = arith.constant 0 : i32
          %dma_start3A_673 = arith.constant 0 : i32
          %dma_start3A_674 = tpu.memref_slice %run_scoped3A_8[%rem3A_668, %dma_start3A_671, %dma_start3A_672, %dma_start3A_673] : memref<2x8x50x128xf32, #tpu.memory_space<vmem>> -> memref<1x8x50x128xf32, #tpu.memory_space<vmem>>
          %dma_start3A_675 = tpu.memref_squeeze %dma_start3A_674 : memref<1x8x50x128xf32, #tpu.memory_space<vmem>> -> memref<8x50x128xf32, #tpu.memory_space<vmem>>
          %dma_start3A_676 = arith.constant 0 : i32
          %dma_start3A_677 = arith.constant 0 : i32
          %dma_start3A_678 = tpu.memref_slice %arg4[%mul3A_670, %dma_start3A_676, %dma_start3A_677] : memref<4096x50x128xf32, #tpu.memory_space<hbm>> -> memref<8x50x128xf32, #tpu.memory_space<hbm>>
          %dma_start3A_679 = tpu.memref_slice %run_scoped3A_9[%rem3A_668] : memref<2x!tpu.dma_semaphore, #tpu.memory_space<semaphore_mem>> -> memref<1x!tpu.dma_semaphore, #tpu.memory_space<semaphore_mem>>
          %dma_start3A_680 = tpu.memref_squeeze %dma_start3A_679 : memref<1x!tpu.dma_semaphore, #tpu.memory_space<semaphore_mem>> -> memref<!tpu.dma_semaphore, #tpu.memory_space<semaphore_mem>>
          %dma_start3A_681 = arith.constant 0 : i32
          %dma_start3A_682 = arith.constant 0 : i32
          %dma_start3A_683 = tpu.memref_slice %arg4[%mul3A_670, %dma_start3A_681, %dma_start3A_682] : memref<4096x50x128xf32, #tpu.memory_space<hbm>> -> memref<8x50x128xf32, #tpu.memory_space<hbm>>
          %dma_start3A_684 = arith.constant 0 : i32
          %dma_start3A_685 = arith.constant 0 : i32
          %dma_start3A_686 = arith.constant 0 : i32
          %dma_start3A_687 = tpu.memref_slice %run_scoped3A_8[%rem3A_668, %dma_start3A_684, %dma_start3A_685, %dma_start3A_686] : memref<2x8x50x128xf32, #tpu.memory_space<vmem>> -> memref<1x8x50x128xf32, #tpu.memory_space<vmem>>
          %dma_start3A_688 = tpu.memref_squeeze %dma_start3A_687 : memref<1x8x50x128xf32, #tpu.memory_space<vmem>> -> memref<8x50x128xf32, #tpu.memory_space<vmem>>
          tpu.enqueue_dma source(%dma_start3A_688 : memref<8x50x128xf32, #tpu.memory_space<vmem>>) target(%dma_start3A_683 : memref<8x50x128xf32, #tpu.memory_space<hbm>>) target_semaphore(%dma_start3A_680 : memref<!tpu.dma_semaphore, #tpu.memory_space<semaphore_mem>>)
        } else {
        }
        %and3A_610 = arith.constant true
        %and3A_611 = arith.andi %or3A_606, %and3A_610 : i1
        %add3A_612 = arith.constant 1 : i32
        %add3A_613 = arith.addi %scan3A_132, %add3A_612 : i32
        %select_n3A_614 = arith.select %and3A_611, %add3A_613, %scan3A_132 : i32
        %ne3A_615 = arith.cmpi ne, %add3A_139, %add3A_148 : i32
        %or3A_616 = arith.constant false
        %or3A_617 = arith.ori %or3A_616, %ne3A_615 : i1
        %or3A_618 = arith.constant false
        %or3A_619 = arith.ori %or3A_617, %or3A_618 : i1
        %or3A_620 = arith.constant false
        %or3A_621 = arith.ori %or3A_619, %or3A_620 : i1
        %not3A_622 = arith.constant true
        %not3A_623 = arith.xori %eq3A_136, %not3A_622 : i1
        %and3A_624 = arith.andi %or3A_621, %not3A_623 : i1
        %convert_element_type3A_625 = arith.extui %and3A_624 : i1 to i32
        %cond3A_626 = arith.constant 0 : i32
        %cond3A_627 = arith.cmpi ne, %convert_element_type3A_625, %cond3A_626 : i32
        scf.if %cond3A_627 {
        } else {
        }
        %and3A_628 = arith.constant false
        %and3A_629 = arith.andi %and3A_624, %and3A_628 : i1
        %ne3A_630 = arith.cmpi ne, %add3A_139, %add3A_148 : i32
        %or3A_631 = arith.constant false
        %or3A_632 = arith.ori %or3A_631, %ne3A_630 : i1
        %or3A_633 = arith.constant false
        %or3A_634 = arith.ori %or3A_632, %or3A_633 : i1
        %or3A_635 = arith.constant false
        %or3A_636 = arith.ori %or3A_634, %or3A_635 : i1
        %not3A_637 = arith.constant true
        %not3A_638 = arith.xori %eq3A_136, %not3A_637 : i1
        %and3A_639 = arith.andi %or3A_636, %not3A_638 : i1
        %convert_element_type3A_640 = arith.extui %and3A_639 : i1 to i32
        %cond3A_641 = arith.constant 0 : i32
        %cond3A_642 = arith.cmpi ne, %convert_element_type3A_640, %cond3A_641 : i32
        scf.if %cond3A_642 {
          %rem3A_667 = arith.constant 2 : i32
          %rem3A_668 = arith.remui %scan3A_133, %rem3A_667 : i32
          %mul3A_669 = arith.constant 8 : i32
          %mul3A_670 = arith.muli %mul3A_669, %add3A_148 : i32
          %dma_wait3A_671 = arith.constant 0 : i32
          %dma_wait3A_672 = arith.constant 0 : i32
          %dma_wait3A_673 = arith.constant 0 : i32
          %dma_wait3A_674 = tpu.memref_slice %run_scoped3A_8[%rem3A_668, %dma_wait3A_671, %dma_wait3A_672, %dma_wait3A_673] : memref<2x8x50x128xf32, #tpu.memory_space<vmem>> -> memref<1x8x50x128xf32, #tpu.memory_space<vmem>>
          %dma_wait3A_675 = tpu.memref_squeeze %dma_wait3A_674 : memref<1x8x50x128xf32, #tpu.memory_space<vmem>> -> memref<8x50x128xf32, #tpu.memory_space<vmem>>
          %dma_wait3A_676 = arith.constant 0 : i32
          %dma_wait3A_677 = arith.constant 0 : i32
          %dma_wait3A_678 = tpu.memref_slice %arg4[%mul3A_670, %dma_wait3A_676, %dma_wait3A_677] : memref<4096x50x128xf32, #tpu.memory_space<hbm>> -> memref<8x50x128xf32, #tpu.memory_space<hbm>>
          %dma_wait3A_679 = tpu.memref_slice %run_scoped3A_9[%rem3A_668] : memref<2x!tpu.dma_semaphore, #tpu.memory_space<semaphore_mem>> -> memref<1x!tpu.dma_semaphore, #tpu.memory_space<semaphore_mem>>
          %dma_wait3A_680 = tpu.memref_squeeze %dma_wait3A_679 : memref<1x!tpu.dma_semaphore, #tpu.memory_space<semaphore_mem>> -> memref<!tpu.dma_semaphore, #tpu.memory_space<semaphore_mem>>
          %dma_wait3A_681 = arith.constant 0 : i32
          %dma_wait3A_682 = arith.constant 0 : i32
          %dma_wait3A_683 = tpu.memref_slice %arg4[%mul3A_670, %dma_wait3A_681, %dma_wait3A_682] : memref<4096x50x128xf32, #tpu.memory_space<hbm>> -> memref<8x50x128xf32, #tpu.memory_space<hbm>>
          %dma_wait3A_684 = arith.constant 0 : i32
          %dma_wait3A_685 = arith.constant 0 : i32
          %dma_wait3A_686 = arith.constant 0 : i32
          %dma_wait3A_687 = tpu.memref_slice %run_scoped3A_8[%rem3A_668, %dma_wait3A_684, %dma_wait3A_685, %dma_wait3A_686] : memref<2x8x50x128xf32, #tpu.memory_space<vmem>> -> memref<1x8x50x128xf32, #tpu.memory_space<vmem>>
          %dma_wait3A_688 = tpu.memref_squeeze %dma_wait3A_687 : memref<1x8x50x128xf32, #tpu.memory_space<vmem>> -> memref<8x50x128xf32, #tpu.memory_space<vmem>>
          tpu.wait_dma2 semaphore(%dma_wait3A_680 : memref<!tpu.dma_semaphore, #tpu.memory_space<semaphore_mem>>) src(%dma_wait3A_688 : memref<8x50x128xf32, #tpu.memory_space<vmem>>) dst(%dma_wait3A_683 : memref<8x50x128xf32, #tpu.memory_space<hbm>>)
        } else {
        }
        %and3A_643 = arith.constant true
        %and3A_644 = arith.andi %and3A_639, %and3A_643 : i1
        %add3A_645 = arith.constant 1 : i32
        %add3A_646 = arith.addi %scan3A_133, %add3A_645 : i32
        %select_n3A_647 = arith.select %and3A_644, %add3A_646, %scan3A_133 : i32
        %ne3A_648 = arith.cmpi ne, %add3A_139, %add3A_157 : i32
        %or3A_649 = arith.constant false
        %or3A_650 = arith.ori %or3A_649, %ne3A_648 : i1
        %or3A_651 = arith.constant false
        %or3A_652 = arith.ori %or3A_650, %or3A_651 : i1
        %or3A_653 = arith.constant false
        %or3A_654 = arith.ori %or3A_652, %or3A_653 : i1
        %or3A_655 = arith.ori %or3A_654, %eq3A_138 : i1
        %add3A_656 = arith.constant 1 : i32
        %add3A_657 = arith.addi %scan3A_131, %add3A_656 : i32
        %select_n3A_658 = arith.select %or3A_655, %add3A_657, %scan3A_131 : i32
        %add3A_659 = arith.constant 1 : i32
        %add3A_660 = arith.addi %scan3A_134, %add3A_659 : i32
        %select_n3A_661 = arith.constant true
        %select_n3A_662 = arith.select %select_n3A_661, %add3A_660, %scan3A_134 : i32
        %eq3A_663 = arith.constant 16 : i32
        %eq3A_664 = arith.cmpi eq, %select_n3A_662, %eq3A_663 : i32
        %select_n3A_665 = arith.constant 0 : i32
        %select_n3A_666 = arith.select %eq3A_664, %select_n3A_665, %select_n3A_662 : i32
        scf.yield %select_n3A_179, %select_n3A_658, %select_n3A_614, %select_n3A_647, %select_n3A_666 : i32, i32, i32, i32, i32
      }
      %scan3A_72 = arith.constant 16 : i32
      %sub3A = arith.constant 1 : i32
      %sub3A_73 = arith.subi %scan3A_71#4, %sub3A : i32
      %select_n3A_74 = arith.constant true
      %select_n3A_75 = arith.select %select_n3A_74, %sub3A_73, %scan3A_71#4 : i32
      %eq3A_76 = arith.constant -1 : i32
      %eq3A_77 = arith.cmpi eq, %select_n3A_75, %eq3A_76 : i32
      %select_n3A_78 = arith.constant 15 : i32
      %select_n3A_79 = arith.select %eq3A_77, %select_n3A_78, %select_n3A_75 : i32
      %add3A_80 = arith.addi %select_n3A_79, %mul3A_6 : i32
      %sub3A_81 = arith.constant 1 : i32
      %sub3A_82 = arith.subi %select_n3A_79, %sub3A_81 : i32
      %select_n3A_83 = arith.constant true
      %select_n3A_84 = arith.select %select_n3A_83, %sub3A_82, %select_n3A_79 : i32
      %eq3A_85 = arith.constant -1 : i32
      %eq3A_86 = arith.cmpi eq, %select_n3A_84, %eq3A_85 : i32
      %select_n3A_87 = arith.constant 15 : i32
      %select_n3A_88 = arith.select %eq3A_86, %select_n3A_87, %select_n3A_84 : i32
      %add3A_89 = arith.addi %select_n3A_88, %mul3A_6 : i32
      %add3A_90 = arith.constant 1 : i32
      %add3A_91 = arith.addi %select_n3A_79, %add3A_90 : i32
      %select_n3A_92 = arith.constant true
      %select_n3A_93 = arith.select %select_n3A_92, %add3A_91, %select_n3A_79 : i32
      %eq3A_94 = arith.constant 16 : i32
      %eq3A_95 = arith.cmpi eq, %select_n3A_93, %eq3A_94 : i32
      %select_n3A_96 = arith.constant 0 : i32
      %select_n3A_97 = arith.select %eq3A_95, %select_n3A_96, %select_n3A_93 : i32
      %add3A_98 = arith.addi %select_n3A_97, %mul3A_6 : i32
      %add3A_99 = arith.constant 1 : i32
      %add3A_100 = arith.addi %select_n3A_97, %add3A_99 : i32
      %select_n3A_101 = arith.constant true
      %select_n3A_102 = arith.select %select_n3A_101, %add3A_100, %select_n3A_97 : i32
      %eq3A_103 = arith.constant 16 : i32
      %eq3A_104 = arith.cmpi eq, %select_n3A_102, %eq3A_103 : i32
      %select_n3A_105 = arith.constant 0 : i32
      %select_n3A_106 = arith.select %eq3A_104, %select_n3A_105, %select_n3A_102 : i32
      %add3A_107 = arith.addi %select_n3A_106, %mul3A_6 : i32
      %rem3A_108 = arith.constant 2 : i32
      %rem3A_109 = arith.remui %scan3A_71#3, %rem3A_108 : i32
      %mul3A_110 = arith.constant 8 : i32
      %mul3A_111 = arith.muli %mul3A_110, %add3A_80 : i32
      %dma_wait3A = arith.constant 0 : i32
      %dma_wait3A_112 = arith.constant 0 : i32
      %dma_wait3A_113 = arith.constant 0 : i32
      %dma_wait3A_114 = tpu.memref_slice %run_scoped3A_8[%rem3A_109, %dma_wait3A, %dma_wait3A_112, %dma_wait3A_113] : memref<2x8x50x128xf32, #tpu.memory_space<vmem>> -> memref<1x8x50x128xf32, #tpu.memory_space<vmem>>
      %dma_wait3A_115 = tpu.memref_squeeze %dma_wait3A_114 : memref<1x8x50x128xf32, #tpu.memory_space<vmem>> -> memref<8x50x128xf32, #tpu.memory_space<vmem>>
      %dma_wait3A_116 = arith.constant 0 : i32
      %dma_wait3A_117 = arith.constant 0 : i32
      %dma_wait3A_118 = tpu.memref_slice %arg4[%mul3A_111, %dma_wait3A_116, %dma_wait3A_117] : memref<4096x50x128xf32, #tpu.memory_space<hbm>> -> memref<8x50x128xf32, #tpu.memory_space<hbm>>
      %dma_wait3A_119 = tpu.memref_slice %run_scoped3A_9[%rem3A_109] : memref<2x!tpu.dma_semaphore, #tpu.memory_space<semaphore_mem>> -> memref<1x!tpu.dma_semaphore, #tpu.memory_space<semaphore_mem>>
      %dma_wait3A_120 = tpu.memref_squeeze %dma_wait3A_119 : memref<1x!tpu.dma_semaphore, #tpu.memory_space<semaphore_mem>> -> memref<!tpu.dma_semaphore, #tpu.memory_space<semaphore_mem>>
      %dma_wait3A_121 = arith.constant 0 : i32
      %dma_wait3A_122 = arith.constant 0 : i32
      %dma_wait3A_123 = tpu.memref_slice %arg4[%mul3A_111, %dma_wait3A_121, %dma_wait3A_122] : memref<4096x50x128xf32, #tpu.memory_space<hbm>> -> memref<8x50x128xf32, #tpu.memory_space<hbm>>
      %dma_wait3A_124 = arith.constant 0 : i32
      %dma_wait3A_125 = arith.constant 0 : i32
      %dma_wait3A_126 = arith.constant 0 : i32
      %dma_wait3A_127 = tpu.memref_slice %run_scoped3A_8[%rem3A_109, %dma_wait3A_124, %dma_wait3A_125, %dma_wait3A_126] : memref<2x8x50x128xf32, #tpu.memory_space<vmem>> -> memref<1x8x50x128xf32, #tpu.memory_space<vmem>>
      %dma_wait3A_128 = tpu.memref_squeeze %dma_wait3A_127 : memref<1x8x50x128xf32, #tpu.memory_space<vmem>> -> memref<8x50x128xf32, #tpu.memory_space<vmem>>
      tpu.wait_dma2 semaphore(%dma_wait3A_120 : memref<!tpu.dma_semaphore, #tpu.memory_space<semaphore_mem>>) src(%dma_wait3A_128 : memref<8x50x128xf32, #tpu.memory_space<vmem>>) dst(%dma_wait3A_123 : memref<8x50x128xf32, #tpu.memory_space<hbm>>)
      tpu.yield
    }) : () -> ()
    return
  }
}

</mosaic_0001>

<sc_bundles>
// kernel: kernel.3.cloned.1.call-start
scs
__scs_entry_jumppad:
0x0: {  	(pc) =	sbr.rel $0x88, $3  }
0x1: {  	(tag) =	ssettag $0x0;
	lr =	simm.s32 $0x1  }
0x2: {  	[smem:$0x3F9F] =	sst lr;
	_ =	strace $0xD0000000  }
0x3: {  	_ = 	snop  }
0x4: {  	_ = 	snop  }
0x5: {  	_ = 	snop  }
0x6: {  	_ = 	snop  }
0x7: {  	_ = 	snop  }
__scs_overlays_trampoline_lowered:
0x8: {  	[smem:$0x3FAE] =	sst s0  }
0x9: {  	[smem:$0x3FAF] =	sst s1  }
0xa: {  	[smem:$0x3FB0] =	sst s2  }
0xb: {  	[smem:$0x3FB1] =	sst s3  }
0xc: {  	[smem:$0x3FB2] =	sst s4  }
0xd: {  	[smem:$0x3FB3] =	sst s5  }
0xe: {  	[smem:$0x3FB4] =	sst s6  }
0xf: {  	[smem:$0x3FB5] =	sst s7  }
0x10: {  	[smem:$0x3FB6] =	sst s8  }
0x11: {  	[smem:$0x3FB7] =	sst s9;
	s0 =	simm.s32 @!p0 $0x0  }
0x12: {  	s1 =	sld [smem:$0x3F9D];
	s0 =	simm.s32 @p0 $0x1  }
0x13: {  	[smem:$0x3FB8] =	sst s0;
	s0 =	simm.s32 @!p1 $0x0  }
0x14: {  	s2 =	sld [smem:$0x3F9C];
	s0 =	simm.s32 @p1 $0x1  }
0x15: {  	[smem:$0x3FB9] =	sst s0;
	s0 =	simm.s32 @!p2 $0x0  }
0x16: {  	s3 =	sld [smem:$0x3FDB];
	s0 =	simm.s32 @p2 $0x1  }
0x17: {  	s4 =	simm.s32 $0x1BF5;
	[smem:$0x3FBB] =	sst s0  }
0x18: {  	s0 =	sld [smem:$0x3F9E];
	_ =	swait.ge [sflag:s4], $0x0  }
0x19: {  	s7 =	sld [smem:$0x3F9F]  }
0x1a: {  	s8 =	sadd.s32 $0xFFFFE003, lr  }
0x1b: {  	s9 =	sadd.s32 $0xFFFFFEF7, lr;
	s5 =	simm.s32 $0xFFFFFFFF;
	p2 =	slt.u32 s8, $0xFFFFF086  }
0x1c: {  	p1 =	slt.u32 s9, $0xF7A;
	s5 =	simm.s32 @!p2 $0x0  }
0x1d: {  	s5 =	simm.s32 @p1 $0x1;
	p0 =	seq.s32 s7, s2  }
0x1e: {  	s7 =	smul.u32 @!p0 $0xF7A, s2;
	p2 =	seq.s32 @!p0 s5, $0x0  }
0x1f: {  	s9 =	smul.u32 $0xF7A, s1;
	s8 =	simm.s32 @!p0 $0x1BF5;
	p2 =	por !p2, p0  }
0x20: {  	[sflag:s8] =	ssyncset.s32 @!p0 $0xFFFFF086;
	s6 =	sadd.s32 @!p0 s3, s7;
	s7 =	simm.s32 @!p0 $0x108  }
0x21: {  	s3 =	sadd.s32 s3, s9;
	s6 =	sadd.s32 @!p0 $0x88, s6;
	s7 =	simm.s32 @p2 $0x1082  }
0x22: {  	[simem:s7], [sflag:s8] =	dma.local @!p0 [hbm:s6], $0xF7A  }
0x23: {  	s9 =	sor.u32 $0xD0000000, s2;
	s6 =	simm.s32 $0x108;
	_ =	swait.ge @!p0 [sflag:s8], $0x0  }
0x24: {  	s3 =	sadd.s32 $0x88, s3;
	s6 =	simm.s32 @!p1 $0x1082;
	[sflag:s4] =	ssyncset.s32 $0xFFFFF086  }
0x25: {  	[simem:s6], [sflag:s4] =	dma.local [hbm:s3], $0xF7A  }
0x26: {  	[smem:$0x3F9F] =	sst s1;
	(tag) =	ssettag s2;
	_ =	strace s9  }
0x27: {  	s1 =	sld [smem:$0x3FAF]  }
0x28: {  	s2 =	sld [smem:$0x3FB0]  }
0x29: {  	s4 =	sld [smem:$0x3FB2]  }
0x2a: {  	p0 =	seq.s32 s5, $0x0;
	s5 =	sld [smem:$0x3FB3]  }
0x2b: {  	s6 =	sld [smem:$0x3FB4]  }
0x2c: {  	s7 =	sld [smem:$0x3FB5]  }
0x2d: {  	s3 =	simm.s32 $0x108;
	s8 =	sld [smem:$0x3FB6]  }
0x2e: {  	s3 =	simm.s32 @!p0 $0x1082;
	s9 =	sld [smem:$0x3FB7]  }
0x2f: {  	lr =	sadd.s32 s0, s3;
	s0 =	sld [smem:$0x3FAE]  }
0x30: {  	s3 =	sld [smem:$0x3FB1]  }
0x31: {  	[smem:$0x3FBA] =	sst s10  }
0x32: {  	s10 =	sld [smem:$0x3FB8];
	_ =	sdelay $0x3  }
0x33: {  	p0 =	seq.s32 s10, $0x1;
	s10 =	sld [smem:$0x3FBA];
	_ =	sdelay $0x3  }
0x34: {  	[smem:$0x3FBA] =	sst s10  }
0x35: {  	s10 =	sld [smem:$0x3FB9];
	_ =	sdelay $0x3  }
0x36: {  	p1 =	seq.s32 s10, $0x1;
	s10 =	sld [smem:$0x3FBA];
	_ =	sdelay $0x3  }
0x37: {  	[smem:$0x3FBA] =	sst s10  }
0x38: {  	s10 =	sld [smem:$0x3FBB]  }
0x39: {  	_ = 	snop;
	(pc) =	sbr.ind lr, $3  }
0x3a: {  	_ = 	snop  }
0x3b: {  	_ = 	snop  }
0x3c: {  	p2 =	seq.s32 s10, $0x1;
	s10 =	sld [smem:$0x3FBA]  }
0x3d: {  	_ =	shalt  }
0x3e: {  	_ =	shalt  }
0x3f: {  	_ =	shalt  }
0x40: {  	_ =	shalt  }
0x41: {  	_ =	shalt  }
0x42: {  	_ =	shalt  }
0x43: {  	_ =	shalt  }
0x44: {  	_ =	shalt  }
0x45: {  	_ =	shalt  }
0x46: {  	_ =	shalt  }
0x47: {  	_ =	shalt  }
0x48: {  	_ =	shalt  }
0x49: {  	_ =	shalt  }
0x4a: {  	_ =	shalt  }
0x4b: {  	_ =	shalt  }
0x4c: {  	_ =	shalt  }
0x4d: {  	_ =	shalt  }
0x4e: {  	_ =	shalt  }
0x4f: {  	_ =	shalt  }
0x50: {  	_ =	shalt  }
0x51: {  	_ =	shalt  }
0x52: {  	_ =	shalt  }
0x53: {  	_ =	shalt  }
0x54: {  	_ =	shalt  }
0x55: {  	_ =	shalt  }
0x56: {  	_ =	shalt  }
0x57: {  	_ =	shalt  }
0x58: {  	_ =	shalt  }
0x59: {  	_ =	shalt  }
0x5a: {  	_ =	shalt  }
0x5b: {  	_ =	shalt  }
0x5c: {  	_ =	shalt  }
0x5d: {  	_ =	shalt  }
0x5e: {  	_ =	shalt  }
0x5f: {  	_ =	shalt  }
0x60: {  	_ =	shalt  }
0x61: {  	_ =	shalt  }
0x62: {  	_ =	shalt  }
0x63: {  	_ =	shalt  }
0x64: {  	_ =	shalt  }
0x65: {  	_ =	shalt  }
0x66: {  	_ =	shalt  }
0x67: {  	_ =	shalt  }
0x68: {  	_ =	shalt  }
0x69: {  	_ =	shalt  }
0x6a: {  	_ =	shalt  }
0x6b: {  	_ =	shalt  }
0x6c: {  	_ =	shalt  }
0x6d: {  	_ =	shalt  }
0x6e: {  	_ =	shalt  }
0x6f: {  	_ =	shalt  }
0x70: {  	_ =	shalt  }
0x71: {  	_ =	shalt  }
0x72: {  	_ =	shalt  }
0x73: {  	_ =	shalt  }
0x74: {  	_ =	shalt  }
0x75: {  	_ =	shalt  }
0x76: {  	_ =	shalt  }
0x77: {  	_ =	shalt  }
0x78: {  	_ =	shalt  }
0x79: {  	_ =	shalt  }
0x7a: {  	_ =	shalt  }
0x7b: {  	_ =	shalt  }
0x7c: {  	_ =	shalt  }
0x7d: {  	_ =	shalt  }
0x7e: {  	_ =	shalt  }
0x7f: {  	_ =	shalt  }
0x80: {  	_ =	shalt  }
0x81: {  	_ =	shalt  }
0x82: {  	_ =	shalt  }
0x83: {  	_ =	shalt  }
0x84: {  	_ =	shalt  }
0x85: {  	_ =	shalt  }
0x86: {  	_ =	shalt  }
0x87: {  	_ =	shalt  }
.Lfunc_end0:
.L_simem_size_0:
called_computation_lowered:
.L_overlay_start_0:
0x88: {  	s2 =	sld [smem:$0x3FD9]  }
0x89: {  	s3 =	sld [smem:$0x3FFE];
	_ =	sdelay $0x1  }
0x8a: {  	s1 =	srdreg.scid  }
0x8b: {  	s0 =	sand.u32 $0x1, s1  }
0x8c: {  	s17 =	sshll.u32 s0, $0xA;
	s2 =	sadd.s32 s3, s2  }
0x8d: {  	s2 =	sadd.s32 s2, s17  }
0x8e: {  	[smem:$0x3FC6] =	sst s2  }
0x8f: {  	_ = 	snop  }
0x90: {  	s2 =	sld [smem:$0x3FC8]  }
0x91: {  	s18 =	sld [smem:$0x3FD0];
	(tm) =	ssettm $0x1  }
0x92: {  	s4 =	sld [smem:$0x3FFB];
	_ =	sdelay $0x3  }
0x93: {  	_ =	strace s4  }
0x94: {  	s4 =	sld [smem:$0x3FFC];
	_ =	sdelay $0x3  }
0x95: {  	_ =	strace s4  }
0x96: {  	s4 =	sld [smem:$0x3FFD];
	_ =	sdelay $0x3  }
0x97: {  	_ =	strace s4  }
0x98: {  	_ =	strace $0x8FFFFFFF  }
0x99: {  	s19 =	sld [smem:$0x3FDB];
	_ =	sdelay $0x1  }
0x9a: {  	s5 =	simm.s32 $_scs_section_size  }
0x9b: {  	s6 =	simm.s32 $_size__tile_overlayer_lowered;
	s7 =	simm.s32 $_tile_overlayer_lowered  }
0x9c: {  	s22 =	simm.s32 $0x1BFF;
	s21 =	sshll.u32 s7, $0x1;
	s4 =	sadd.s32 s5, s19  }
0x9d: {  	s8 =	simm.s32 $0x0;
	s20 =	sshll.u32 s6, $0x1;
	s6 =	sadd.s32 s21, s4  }
0x9e: {  	[timem:s8], [sflag:s22] =	dma.local [hbm:s6], s20  }
0x9f: {  	_ =	swait.ge [sflag:s22], s20  }
0xa0: {  	s5 =	ssub.s32 $0x0, s20;
	[sflag:s22] =	ssyncset.done $0x0  }
0xa1: {  	[sflag:s22] =	ssyncadd.s32 s5;
	_ =	sdelay $0x1  }
0xa2: {  	s23 =	simm.s32 $0x1B8B  }
0xa3: {  	_ =	swait.ge [sflag:s23], $0x1  }
0xa4: {  	[sflag:s23] =	ssyncset.done $0x0  }
0xa5: {  	s25 =	simm.s32 $0x1B8E;
	s24 =	sld [smem:$0x3FFE];
	[sflag:s23] =	ssyncadd.s32 $0xFFFFFFFF  }
0xa6: {  	s26 =	simm.s32 $execute0_lowered;
	[smem:$0x3FD2] =	sst s25  }
0xa7: {  	s6 =	sshll.u32 s26, $0x1;
	_ =	strace $0x80000046;
	[dreg:$0x1] =	wrdreg $0xFFFFFFFF  }
0xa8: {  	s28 =	simm.s32 $_size_execute0_lowered;
	s4 =	sadd.s32 s4, s6;
	[dreg:$0x0] =	wrdreg $0x0  }
0xa9: {  	s6 =	sshll.u32 s28, $0x1;
	[dreg:$0x2] =	wrdreg s4  }
0xaa: {  	[dreg:$0x3] =	wrdreg s6  }
0xab: {  	[dreg:$0x4] =	wrdreg $0xC0  }
0xac: {  	_ =	task [dreg:s8], $0x5FFFF  }
0xad: {  	[dreg:$0x1] =	wrdreg $0xFFFFFFFF  }
0xae: {  	[dreg:$0x0] =	wrdreg $0x60  }
0xaf: {  	[dreg:$0x2] =	wrdreg s2  }
0xb0: {  	[dreg:$0x3] =	wrdreg s18  }
0xb1: {  	[dreg:$0x4] =	wrdreg s24  }
0xb2: {  	[dreg:$0x5] =	wrdreg $0x9  }
0xb3: {  	_ =	task.clear_ibuf [dreg:s8], $0x6FFFF;
	_ =	strace $0x90000046  }
0xb4: {  	s29 =	simm.s32 $0x9;
	_ =	strace $0x80000048  }
0xb5: {  	_ =	swait.ge [sflag:s29], $0x1  }
0xb6: {  	[sflag:s29] =	ssyncadd.s32 $0xFFFFFFFF  }
0xb7: {  	_ =	strace $0x90000048  }
0xb8: {  	_ =	sfence  }
0xb9: {  	s30 =	sld [smem:$0x0];
	_ =	sdelay $0x2  }
0xba: {  	s31 =	sshll.u32 s1, $0xD;
	s1 =	sshrl.u32 s1, $0x2  }
0xbb: {  	s3 =	sand.u32 $0x4000, s31;
	s1 =	sadd.s32 s1, s30  }
0xbc: {  	s0 =	sor.u32 s3, s0;
	s1 =	sshll.u32 s1, $0x11  }
0xbd: {  	s0 =	sor.u32 s1, s0  }
0xbe: {  	s0 =	sadd.s32 $0x8F2B, s0  }
0xbf: {  	[sflag:s0] =	ssyncadd.remote.s32 $0x1  }
0xc0: {  	_ =	sfence.sel $0xFFFF  }
0xc1: {  	[dreg:$0x0] =	wrdreg $0xFFFFFFFF;
	(pc) =	sbr.abs _section_cstart, $3  }
0xc2: {  	[dreg:$0x1] =	wrdreg $0xFFFFFFFF  }
0xc3: {  	_ =	task.clear_ibuf [dreg:s8], $0x2FFFF;
	_ =	strace $0x9FFFFFFF  }
0xc4: {  	(tm) =	ssettm $0x7FFFFFFF  }
0xc5: {  	_ =	shalt  }
tec
execute0_lowered:
.L_overlay_start_1:
0x0: {  	(tag) =	ssettag $0x1  }
0x1: {  	s1 =	rddreg [dreg:$0x0]  }
0x2: {  	s2 =	rddreg [dreg:$0x1]  }
0x3: {  	s5 =	rddreg [dreg:$0x2];
	s6 =	srdreg.scid  }
0x4: {  	s0 =	simm.s32 $0x0;
	s29 =	stileid.u32;
	s6 =	sand.u32 $0x1, s6  }
0x5: {  	s8 =	sshll.u32 s29, $0x4;
	s7 =	ssub.s32 $0x2, s6;
	s6 =	sshll.u32 s6, $0x8  }
0x6: {  	[smem:$0x7FF] =	sst s0;
	s9 =	sadd.s32 $0x400, s5;
	s5 =	sor.u32 s8, s6  }
0x7: {  	_ =	strace $0x80000047;
	s10 =	sshrl.u32 s7, $0x1;
	s6 =	sshll.u32 s5, $0x7  }
0x8: {  	[dreg:$0x4] =	wrdreg s9;
	s7 =	ssub.s32 s7, s10;
	s30 =	sadd.s32 s2, s6  }
0x9: {  	s11 =	simm.s32 $0x0;
	s31 =	smax.u32 s7, $0x1;
	[dreg:$0x5] =	wrdreg s30  }
0xa: {  	s9 =	simm.s32 $0x32;
	s8 =	simm.s32 $0x1;
	[dreg:$0x6] =	wrdreg s31  }
.LBB2_1:
0xb: {  	s0 =	simm.s32 $0x0  }
0xc: {  	s3 =	rddreg [dreg:$0x5];
	s12 =	simm.s32 $0x1;
	p0 =	por $0x0, $0x0  }
0xd: {  	[tilespmem:s0], [sflag:$0x2] =	stream.linear.gather [hbm4b:s3+s0], $0x400, $0x38;
	[tilespmem:$0x19800] =	vst v63  }
0xe: {  	s12 =	simm.s32 @p0 $0x0  }
0xf: {  	p1 =	por $0x1, $0x1;
	p0 =	sne.s32 s12, $0x0  }
0x10: {  	p1 =	por !p1, !p0  }
0x11: {  	p1 =	por !p1, !p1  }
0x12: {  	s13 =	sadd.s32 @p1 s5, s12;
	s14 =	sand.u32 @p1 $0x1, s8  }
0x13: {  	s18 =	simm.s32 @p1 $0x0;
	s13 =	sshll.u32 @p1 s13, $0x7;
	s15 =	sshll.u32 @p1 s14, $0xA  }
0x14: {  	s16 =	sor.u32 @p1 $0x2, s14;
	s14 =	sand.u32 $0x1, s0;
	s13 =	sand.u32 @p1 $0x1FFFFF80, s13  }
0x15: {  	s17 =	smul.u32 $0x32000, s14;
	s19 =	sor.u32 $0x2, s14;
	s13 =	sadd.s32 @p1 s2, s13  }
0x16: {  	[tilespmem:s15], [sflag:s16] =	stream.linear.gather @p1 [hbm4b:s13+s18], $0x400, $0x38;
	[tilespmem:$0x19800] =	vst v63  }
0x17: {  	_ =	swait.ge [sflag:s19], $0x400  }
0x18: {  	s7 =	simm.s32 $0x0;
	s10 =	sshrl.u32 s17, $0x2;
	[sflag:s19] =	ssyncset.done $0x0  }
0x19: {  	s13 =	sand.u32 $0x400, s7;
	s15 =	sadd.s32 $0x800, s10;
	[sflag:s19] =	ssyncadd.s32 $0xFFFFFC00  }
0x1a: {  	[tilespmem:s15], [sflag:$0x1] =	stream.indirect.gather [hbm4b:s1+s9], $0x80, s13, s9, $0xb8;
	[tilespmem:$0x19800] =	vst v63  }
0x1b: {  	s17 =	sadd.s32 $0x2100, s10;
	s19 =	sor.u32 $0x80, s13  }
0x1c: {  	[tilespmem:s17], [sflag:$0x1] =	stream.indirect.gather [hbm4b:s1+s9], $0x80, s19, s9, $0xb8;
	[tilespmem:$0x19800] =	vst v63  }
0x1d: {  	s20 =	sadd.s32 $0x3A00, s10;
	s21 =	sor.u32 $0x100, s13  }
0x1e: {  	[tilespmem:s20], [sflag:$0x1] =	stream.indirect.gather [hbm4b:s1+s9], $0x80, s21, s9, $0xb8;
	[tilespmem:$0x19800] =	vst v63  }
0x1f: {  	s22 =	sadd.s32 $0x5300, s10;
	s23 =	sor.u32 $0x180, s13  }
0x20: {  	[tilespmem:s22], [sflag:$0x1] =	stream.indirect.gather [hbm4b:s1+s9], $0x80, s23, s9, $0xb8;
	[tilespmem:$0x19800] =	vst v63  }
0x21: {  	s24 =	sadd.s32 $0x6C00, s10;
	s25 =	sor.u32 $0x200, s13  }
0x22: {  	[tilespmem:s24], [sflag:$0x1] =	stream.indirect.gather [hbm4b:s1+s9], $0x80, s25, s9, $0xb8;
	[tilespmem:$0x19800] =	vst v63  }
0x23: {  	s26 =	sadd.s32 $0x8500, s10;
	s29 =	sor.u32 $0x280, s13  }
0x24: {  	[tilespmem:s26], [sflag:$0x1] =	stream.indirect.gather [hbm4b:s1+s9], $0x80, s29, s9, $0xb8;
	[tilespmem:$0x19800] =	vst v63  }
0x25: {  	s30 =	sadd.s32 $0x9E00, s10;
	s31 =	sor.u32 $0x300, s13  }
0x26: {  	[tilespmem:s30], [sflag:$0x1] =	stream.indirect.gather [hbm4b:s1+s9], $0x80, s31, s9, $0xb8;
	[tilespmem:$0x19800] =	vst v63  }
0x27: {  	s16 =	sadd.s32 $0xB700, s10;
	s13 =	sor.u32 $0x380, s13  }
0x28: {  	[tilespmem:s16], [sflag:$0x1] =	stream.indirect.gather [hbm4b:s1+s9], $0x80, s13, s9, $0xb8;
	[tilespmem:$0x19800] =	vst v63  }
0x29: {  	_ =	swait.ge [sflag:s8], $0x1900  }
0x2a: {  	[sflag:s8] =	ssyncset.done $0x0  }
0x2b: {  	[sflag:s8] =	ssyncadd.s32 $0xFFFFE700  }
0x2c: {  	_ =	swait.ge [sflag:s8], $0x1900  }
0x2d: {  	p3 =	por $0x1, $0x1;
	p2 =	por $0x0, $0x0;
	[sflag:s8] =	ssyncset.done $0x0  }
0x2e: {  	p4 =	por $0x0, $0x0;
	p6 =	por p0, p0;
	[sflag:s8] =	ssyncadd.s32 $0xFFFFE700  }
0x2f: {  	p5 =	por $0x0, $0x0;
	p6 =	por p4, p6;
	_ =	swait.ge [sflag:s8], $0x1900  }
0x30: {  	p0 =	por p3, p3;
	s28 =	sor.u32 @p6 $0x4, s14;
	[sflag:s8] =	ssyncset.done $0x0  }
0x31: {  	s18 =	sadd.s32 $0x1, s12;
	s17 =	simm.s32 $0x1;
	[sflag:s8] =	ssyncadd.s32 $0xFFFFE700  }
0x32: {  	s19 =	sand.u32 @!p3 $0x1, s0;
	p3 =	seq.s32 s18, $0x10;
	_ =	swait.ge [sflag:s8], $0x1900  }
0x33: {  	s17 =	simm.s32 @!p1 $0x0;
	s18 =	simm.s32 @p3 $0x0;
	[sflag:s8] =	ssyncset.done $0x0  }
0x34: {  	p1 =	por $0x1, $0x1;
	s17 =	sadd.s32 $0x1, s17;
	[sflag:s8] =	ssyncadd.s32 $0xFFFFE700  }
0x35: {  	s21 =	simm.s32 $0x1;
	p3 =	sne.s32 s12, s18;
	_ =	swait.ge [sflag:s8], $0x1900  }
0x36: {  	s20 =	simm.s32 $0x0;
	s21 =	simm.s32 @!p5 $0x0;
	[sflag:s8] =	ssyncset.done $0x0  }
0x37: {  	p5 =	por !p1, !p3;
	s22 =	sor.u32 @!p0 $0x4, s19;
	[sflag:s8] =	ssyncadd.s32 $0xFFFFE700  }
0x38: {  	p5 =	por !p5, !p5;
	s19 =	simm.s32 $0x0;
	_ =	swait.ge [sflag:s8], $0x1900  }
0x39: {  	s23 =	sand.u32 @p5 $0x1, s17;
	s14 =	sadd.s32 @p5 s5, s18;
	[sflag:s8] =	ssyncset.done $0x0  }
0x3a: {  	s25 =	sadd.s32 $0x0, s5;
	s24 =	sshll.u32 @p5 s14, $0x7;
	[sflag:s8] =	ssyncadd.s32 $0xFFFFE700  }
0x3b: {  	s14 =	simm.s32 $0x0;
	s26 =	sshll.u32 @p5 s23, $0xA;
	_ =	swait.ge [sflag:s8], $0x1900  }
0x3c: {  	s13 =	simm.s32 $0xF;
	s16 =	simm.s32 $0xE;
	[sflag:s8] =	ssyncset.done $0x0  }
.LBB2_2:
0x3d: {  	s29 =	sor.u32 @p5 $0x2, s23;
	s24 =	sand.u32 @p5 $0x1FFFFF80, s24  }
0x3e: {  	[sflag:s8] =	ssyncadd.s32 $0xFFFFE700;
	p1 =	por p3, p3;
	s30 =	simm.s32 @p6 $0x1900  }
0x3f: {  	s31 =	simm.s32 $0x1;
	s25 =	smul.u32 @p6 $0xE000, s25;
	s0 =	simm.s32 @!p1 $0x0  }
0x40: {  	s7 =	simm.s32 @p6 $0x1C00;
	s4 =	simm.s32 $0x1;
	s0 =	simm.s32 @p1 $0x1  }
0x41: {  	s31 =	simm.s32 @!p6 $0x0;
	s4 =	simm.s32 @!p5 $0x0;
	[smem:$0x7FD] =	sst s0  }
0x42: {  	s19 =	sadd.s32 s31, s19;
	s20 =	sadd.s32 s31, s20;
	_ =	swait.ge [sflag:s8], $0x1900  }
0x43: {  	s25 =	sshrl.u32 @p6 s25, $0x3;
	s3 =	rddreg [dreg:$0x4];
	[sflag:s8] =	ssyncset.done $0x0  }
0x44: {  	s17 =	sadd.s32 s4, s17;
	[sflag:s8] =	ssyncadd.s32 $0xFFFFE700;
	s3 =	sadd.s32 @p6 s3, s25  }
0x45: {  	[hbm4b:s3+s30] =	stream.strided.scatter @p6 [tilespmem:s15], [sflag:s28], $0xC800, s7, s30, $0x38;
	[tilespmem:$0x19800] =	vst v63  }
0x46: {  	s4 =	simm.s32 @p5 $0x0;
	s0 =	sadd.s32 @p5 s2, s24;
	_ =	swait.ge @!p0 [sflag:s22], $0xC800  }
0x47: {  	s6 =	sand.u32 $0x1, s19;
	s24 =	sand.u32 $0x1, s20;
	[sflag:s22] =	ssyncset.done @!p0 $0x0  }
0x48: {  	s10 =	smul.u32 $0x32000, s24;
	s6 =	sor.u32 $0x2, s6;
	[sflag:s22] =	ssyncadd.s32 @!p0 $0xFFFF3800  }
0x49: {  	[tilespmem:s26], [sflag:s29] =	stream.linear.gather @p5 [hbm4b:s0+s4], $0x400, $0x38;
	[tilespmem:$0x19800] =	vst v63  }
0x4a: {  	_ =	swait.ge [sflag:s6], $0x400  }
0x4b: {  	s31 =	sshll.u32 s19, $0xA;
	s3 =	sshrl.u32 s10, $0x2;
	[sflag:s6] =	ssyncset.done $0x0  }
0x4c: {  	s15 =	sadd.s32 $0x800, s3;
	s4 =	sand.u32 $0x400, s31;
	[sflag:s6] =	ssyncadd.s32 $0xFFFFFC00  }
0x4d: {  	[tilespmem:s15], [sflag:$0x1] =	stream.indirect.gather [hbm4b:s1+s9], $0x80, s4, s9, $0xb8;
	[tilespmem:$0x19800] =	vst v63  }
0x4e: {  	s22 =	sadd.s32 $0x2100, s3;
	s25 =	sor.u32 $0x80, s4  }
0x4f: {  	[tilespmem:s22], [sflag:$0x1] =	stream.indirect.gather [hbm4b:s1+s9], $0x80, s25, s9, $0xb8;
	[tilespmem:$0x19800] =	vst v63  }
0x50: {  	s26 =	sadd.s32 $0x3A00, s3;
	s29 =	sor.u32 $0x100, s4  }
0x51: {  	[tilespmem:s26], [sflag:$0x1] =	stream.indirect.gather [hbm4b:s1+s9], $0x80, s29, s9, $0xb8;
	[tilespmem:$0x19800] =	vst v63  }
0x52: {  	s30 =	sadd.s32 $0x5300, s3;
	s31 =	sor.u32 $0x180, s4  }
0x53: {  	[tilespmem:s30], [sflag:$0x1] =	stream.indirect.gather [hbm4b:s1+s9], $0x80, s31, s9, $0xb8;
	[tilespmem:$0x19800] =	vst v63  }
0x54: {  	s7 =	sor.u32 $0x200, s4;
	s6 =	sadd.s32 $0x6C00, s3  }
0x55: {  	[tilespmem:s6], [sflag:$0x1] =	stream.indirect.gather [hbm4b:s1+s9], $0x80, s7, s9, $0xb8;
	[tilespmem:$0x19800] =	vst v63  }
0x56: {  	s10 =	sadd.s32 $0x8500, s3;
	s22 =	sor.u32 $0x280, s4  }
0x57: {  	[tilespmem:s10], [sflag:$0x1] =	stream.indirect.gather [hbm4b:s1+s9], $0x80, s22, s9, $0xb8;
	[tilespmem:$0x19800] =	vst v63  }
0x58: {  	s25 =	sadd.s32 $0x9E00, s3;
	s26 =	sor.u32 $0x300, s4  }
0x59: {  	[tilespmem:s25], [sflag:$0x1] =	stream.indirect.gather [hbm4b:s1+s9], $0x80, s26, s9, $0xb8;
	[tilespmem:$0x19800] =	vst v63  }
0x5a: {  	s29 =	sadd.s32 $0xB700, s3;
	s30 =	sor.u32 $0x380, s4  }
0x5b: {  	[tilespmem:s29], [sflag:$0x1] =	stream.indirect.gather [hbm4b:s1+s9], $0x80, s30, s9, $0xb8;
	[tilespmem:$0x19800] =	vst v63  }
0x5c: {  	_ =	swait.ge [sflag:s8], $0x1900  }
0x5d: {  	[sflag:s8] =	ssyncset.done $0x0  }
0x5e: {  	[sflag:s8] =	ssyncadd.s32 $0xFFFFE700  }
0x5f: {  	_ =	swait.ge [sflag:s8], $0x1900  }
0x60: {  	[sflag:s8] =	ssyncset.done $0x0  }
0x61: {  	[sflag:s8] =	ssyncadd.s32 $0xFFFFE700  }
0x62: {  	_ =	swait.ge [sflag:s8], $0x1900  }
0x63: {  	[sflag:s8] =	ssyncset.done $0x0  }
0x64: {  	[sflag:s8] =	ssyncadd.s32 $0xFFFFE700  }
0x65: {  	s23 =	smov.u32 s13;
	s13 =	smov.u32 s16;
	_ =	swait.ge [sflag:s8], $0x1900  }
0x66: {  	s16 =	sadd.s32 $0xFFFFFFFF, s16;
	s14 =	sadd.s32 s21, s14;
	[sflag:s8] =	ssyncset.done $0x0  }
0x67: {  	p4 =	sne.s32 s16, $0x0;
	s21 =	sand.u32 @!p2 $0x1, s14;
	[sflag:s8] =	ssyncadd.s32 $0xFFFFE700  }
0x68: {  	p1 =	sne.s32 s13, $0x1;
	p6 =	sne.s32 s23, $0x10;
	_ =	swait.ge [sflag:s8], $0x1900  }
0x69: {  	p0 =	por p2, p2;
	p2 =	seq.s32 s13, $0x10;
	[sflag:s8] =	ssyncset.done $0x0  }
0x6a: {  	s22 =	sor.u32 @!p0 $0x4, s21;
	s25 =	sadd.s32 s5, s12;
	[sflag:s8] =	ssyncadd.s32 $0xFFFFE700  }
0x6b: {  	s12 =	smov.u32 s18;
	s18 =	sadd.s32 $0x1, s18;
	_ =	swait.ge [sflag:s8], $0x1900  }
0x6c: {  	s21 =	simm.s32 $0x1;
	p3 =	seq.s32 s18, $0x10;
	s31 =	sld [smem:$0x7FD]  }
0x6d: {  	p5 =	seq.s32 s23, $0x1;
	s21 =	simm.s32 @!p6 $0x0;
	s18 =	simm.s32 @p3 $0x0  }
.Ltmp0:
0x6e: {  	p3 =	sne.s32 s12, s18;
	[sflag:s8] =	ssyncset.done $0x0;
	(pc) =	sbr.rel @p4 .LBB2_2-.Ltmp0, $4  }
0x6f: {  	p1 =	por !p1, !p3;
	[sflag:s8] =	ssyncadd.s32 $0xFFFFE700;
	p6 =	seq.s32 s31, $0x1  }
0x70: {  	_ =	swait.ge [sflag:s8], $0x1900;
	p6 =	por p5, p6;
	p5 =	por !p1, !p1  }
0x71: {  	[sflag:s8] =	ssyncset.done $0x0;
	s23 =	sand.u32 @p5 $0x1, s17;
	s0 =	sadd.s32 @p5 s5, s18  }
0x72: {  	s28 =	sor.u32 @p6 $0x4, s24;
	s26 =	sshll.u32 @p5 s23, $0xA;
	s24 =	sshll.u32 @p5 s0, $0x7  }
0x73: {  	[sflag:s8] =	ssyncadd.s32 $0xFFFFE700  }
0x74: {  	s0 =	sor.u32 @p5 $0x2, s23;
	s3 =	sand.u32 @p5 $0x1FFFFF80, s24;
	s4 =	simm.s32 $0x1  }
0x75: {  	s7 =	smul.u32 @p6 $0xE000, s25;
	s10 =	simm.s32 @p6 $0x1900;
	_ =	swait.ge [sflag:s8], $0x1900  }
0x76: {  	s17 =	simm.s32 @p6 $0x1C00;
	s4 =	simm.s32 @!p6 $0x0;
	s6 =	rddreg [dreg:$0x4]  }
0x77: {  	s16 =	sadd.s32 s4, s20;
	[sflag:s8] =	ssyncset.done $0x0;
	s7 =	sshrl.u32 @p6 s7, $0x3  }
0x78: {  	s4 =	sadd.s32 s4, s19;
	[sflag:s8] =	ssyncadd.s32 $0xFFFFE700;
	s6 =	sadd.s32 @p6 s6, s7  }
0x79: {  	[hbm4b:s6+s10] =	stream.strided.scatter @p6 [tilespmem:s15], [sflag:s28], $0xC800, s17, s10, $0x38;
	[tilespmem:$0x19800] =	vst v63  }
0x7a: {  	s3 =	sadd.s32 @p5 s2, s3;
	s30 =	sand.u32 $0x1, s4;
	_ =	swait.ge @!p0 [sflag:s22], $0xC800  }
0x7b: {  	s15 =	sand.u32 $0x1, s16;
	s10 =	simm.s32 @p5 $0x0;
	[sflag:s22] =	ssyncset.done @!p0 $0x0  }
0x7c: {  	s6 =	sor.u32 $0x2, s30;
	s31 =	smul.u32 $0x32000, s15;
	[sflag:s22] =	ssyncadd.s32 @!p0 $0xFFFF3800  }
0x7d: {  	[tilespmem:s26], [sflag:s0] =	stream.linear.gather @p5 [hbm4b:s3+s10], $0x400, $0x38;
	[tilespmem:$0x19800] =	vst v63  }
0x7e: {  	_ =	swait.ge [sflag:s6], $0x400  }
0x7f: {  	s4 =	sshll.u32 s4, $0xA;
	s7 =	sshrl.u32 s31, $0x2;
	[sflag:s6] =	ssyncset.done $0x0  }
0x80: {  	s16 =	sadd.s32 $0x800, s7;
	s0 =	sand.u32 $0x400, s4;
	[sflag:s6] =	ssyncadd.s32 $0xFFFFFC00  }
0x81: {  	[tilespmem:s16], [sflag:$0x1] =	stream.indirect.gather [hbm4b:s1+s9], $0x80, s0, s9, $0xb8;
	[tilespmem:$0x19800] =	vst v63  }
0x82: {  	s10 =	sadd.s32 $0x2100, s7;
	s17 =	sor.u32 $0x80, s0  }
0x83: {  	[tilespmem:s10], [sflag:$0x1] =	stream.indirect.gather [hbm4b:s1+s9], $0x80, s17, s9, $0xb8;
	[tilespmem:$0x19800] =	vst v63  }
0x84: {  	s18 =	sadd.s32 $0x3A00, s7;
	s19 =	sor.u32 $0x100, s0  }
0x85: {  	[tilespmem:s18], [sflag:$0x1] =	stream.indirect.gather [hbm4b:s1+s9], $0x80, s19, s9, $0xb8;
	[tilespmem:$0x19800] =	vst v63  }
0x86: {  	s20 =	sadd.s32 $0x5300, s7;
	s22 =	sor.u32 $0x180, s0  }
0x87: {  	[tilespmem:s20], [sflag:$0x1] =	stream.indirect.gather [hbm4b:s1+s9], $0x80, s22, s9, $0xb8;
	[tilespmem:$0x19800] =	vst v63  }
0x88: {  	s23 =	sadd.s32 $0x6C00, s7;
	s24 =	sor.u32 $0x200, s0  }
0x89: {  	[tilespmem:s23], [sflag:$0x1] =	stream.indirect.gather [hbm4b:s1+s9], $0x80, s24, s9, $0xb8;
	[tilespmem:$0x19800] =	vst v63  }
0x8a: {  	s25 =	sadd.s32 $0x8500, s7;
	s26 =	sor.u32 $0x280, s0  }
0x8b: {  	[tilespmem:s25], [sflag:$0x1] =	stream.indirect.gather [hbm4b:s1+s9], $0x80, s26, s9, $0xb8;
	[tilespmem:$0x19800] =	vst v63  }
0x8c: {  	s28 =	sadd.s32 $0x9E00, s7;
	s29 =	sor.u32 $0x300, s0  }
0x8d: {  	[tilespmem:s28], [sflag:$0x1] =	stream.indirect.gather [hbm4b:s1+s9], $0x80, s29, s9, $0xb8;
	[tilespmem:$0x19800] =	vst v63  }
0x8e: {  	s3 =	sadd.s32 $0xB700, s7;
	s0 =	sor.u32 $0x380, s0  }
0x8f: {  	[tilespmem:s3], [sflag:$0x1] =	stream.indirect.gather [hbm4b:s1+s9], $0x80, s0, s9, $0xb8;
	[tilespmem:$0x19800] =	vst v63  }
0x90: {  	_ =	swait.ge [sflag:s8], $0x1900  }
0x91: {  	[sflag:s8] =	ssyncset.done $0x0  }
0x92: {  	[sflag:s8] =	ssyncadd.s32 $0xFFFFE700  }
0x93: {  	_ =	swait.ge [sflag:s8], $0x1900  }
0x94: {  	[sflag:s8] =	ssyncset.done $0x0  }
0x95: {  	[sflag:s8] =	ssyncadd.s32 $0xFFFFE700  }
0x96: {  	_ =	swait.ge [sflag:s8], $0x1900  }
0x97: {  	[sflag:s8] =	ssyncset.done $0x0  }
0x98: {  	[sflag:s8] =	ssyncadd.s32 $0xFFFFE700  }
0x99: {  	_ =	swait.ge [sflag:s8], $0x1900  }
0x9a: {  	[sflag:s8] =	ssyncset.done $0x0  }
0x9b: {  	[sflag:s8] =	ssyncadd.s32 $0xFFFFE700  }
0x9c: {  	_ =	swait.ge [sflag:s8], $0x1900  }
0x9d: {  	[sflag:s8] =	ssyncset.done $0x0  }
0x9e: {  	[sflag:s8] =	ssyncadd.s32 $0xFFFFE700  }
0x9f: {  	_ =	swait.ge [sflag:s8], $0x1900  }
0xa0: {  	p1 =	seq.s32 s13, $0x1;
	p6 =	por p3, p3;
	[sflag:s8] =	ssyncset.done $0x0  }
0xa1: {  	p0 =	por p1, p6;
	[sflag:s8] =	ssyncadd.s32 $0xFFFFE700  }
0xa2: {  	p1 =	por p2, p2;
	s7 =	simm.s32 @p0 $0x1900;
	_ =	swait.ge [sflag:s8], $0x1900  }
0xa3: {  	s6 =	sor.u32 @p0 $0x4, s15;
	s3 =	sadd.s32 s5, s12;
	[sflag:s8] =	ssyncset.done $0x0  }
0xa4: {  	s0 =	sadd.s32 s21, s14;
	s3 =	smul.u32 @p0 $0xE000, s3;
	[sflag:s8] =	ssyncadd.s32 $0xFFFFE700  }
0xa5: {  	s10 =	simm.s32 @p0 $0x1C00;
	s0 =	sand.u32 @!p2 $0x1, s0;
	_ =	swait.ge [sflag:s8], $0x1900  }
0xa6: {  	s3 =	sshrl.u32 @p0 s3, $0x3;
	s4 =	rddreg [dreg:$0x4];
	[sflag:s8] =	ssyncset.done $0x0  }
0xa7: {  	s0 =	sor.u32 @!p1 $0x4, s0;
	[sflag:s8] =	ssyncadd.s32 $0xFFFFE700;
	s3 =	sadd.s32 @p0 s4, s3  }
0xa8: {  	[hbm4b:s3+s7] =	stream.strided.scatter @p0 [tilespmem:s16], [sflag:s6], $0xC800, s10, s7, $0x38;
	[tilespmem:$0x19800] =	vst v63  }
0xa9: {  	_ =	swait.ge @!p1 [sflag:s0], $0xC800  }
0xaa: {  	[sflag:s0] =	ssyncset.done @!p1 $0x0  }
0xab: {  	s30 =	simm.s32 $0x5;
	[sflag:s0] =	ssyncadd.s32 @!p1 $0xFFFF3800  }
0xac: {  	_ =	swait.ge [sflag:s30], $0xC800  }
0xad: {  	s11 =	sadd.s32 $0x1, s11;
	s31 =	rddreg [dreg:$0x6]  }
0xae: {  	p0 =	sne.s32 s11, s31  }
.Ltmp1:
0xaf: {  	_ = 	snop;
	(pc) =	sbr.rel @p0 .LBB2_1-.Ltmp1, $3  }
0xb0: {  	_ =	sdelay $0x1  }
0xb1: {  	[sflag:s30] =	ssyncset.done $0x0  }
0xb2: {  	[sflag:s30] =	ssyncadd.s32 $0xFFFF3800  }
0xb3: {  	_ =	sfence.sel $0x180000  }
0xb4: {  	[bflag:$0x0] =	sbarrier.arrive $0xFFFF  }
0xb5: {  	_ =	strace $0x90000047  }
0xb6: {  	s0 =	stileid.u32;
	[bflag:$0x2] =	sbarrier.arrive $0xFFFF  }
0xb7: {  	p0 =	sne.s32 s0, $0x0;
	s0 =	rddreg [dreg:$0x3]  }
0xb8: {  	s0 =	sadd.s32 @!p0 $0x100000, s0  }
0xb9: {  	[sflag:s0] =	ssyncadd.tile.s32 @!p0 $0x1;
	_ =	shalt  }
.Lfunc_end2:
_tile_overlayer_lowered:
.L_overlay_start_2:
0xba: {  	(tag) =	ssettag $0x2  }
0xbb: {  	s0 =	rddreg [dreg:$0x0];
	s2 =	stileid.u32  }
0xbc: {  	s1 =	rddreg [dreg:$0x1];
	p0 =	sne.s32 s2, $0x0  }
0xbd: {  	s3 =	rddreg [dreg:$0x2];
	[bflag:$0x3] =	sbarrier.arrive $0xFFFF;
	s2 =	simm.s32 @!p0 $0x1C02  }
0xbe: {  	[timem:s3], [sflag:s2] =	dma.local @!p0 [hbm:s0], s1  }
0xbf: {  	s0 =	simm.s32 @!p0 $0x2  }
0xc0: {  	_ =	swait.ge @!p0 [sflag:s0], s1  }
0xc1: {  	s1 =	ssub.s32 @!p0 $0x0, s1;
	[sflag:s0] =	ssyncset.done @!p0 $0x0  }
0xc2: {  	[sflag:s0] =	ssyncadd.s32 @!p0 s1  }
0xc3: {  	[bflag:$0x3] =	sbarrier.arrive $0xFFFF  }
0xc4: {  	_ =	shalt  }

</sc_bundles>
